<compile_context>
chip_gen: v7x
topology: tpu7x:2x2x1
jax: 0.10.2.dev20260603
libtpu: 0.0.44.dev20260713+nightly
codegen_flags: <defaults>
</compile_context>

<pallas_src>
import functools

import jax
import jax.numpy as jnp
from jax import lax
from jax.experimental import pallas as pl
from jax.experimental.pallas import tpu as pltpu
from jax.experimental.pallas import tpu_sc as plsc

N = 10000
NP = 10240
D = 128
L2W = 16
NC, NS, LANES = 2, 16, 16
CH = 128
STRIPE = NP // NS


def _sc_mesh():
    return plsc.VectorSubcoreMesh(
        core_axis_name="c", subcore_axis_name="s", num_cores=NC, num_subcores=NS
    )


def _fill(buf, nrows, ncols, val):
    def row(i, _):
        def col(j, _):
            buf[i, pl.ds(pl.multiple_of(j * LANES, LANES), LANES)] = jnp.full(
                (LANES,), val, jnp.float32)
            return 0
        return lax.fori_loop(0, ncols // LANES, col, 0)
    lax.fori_loop(0, nrows, row, 0)


def _make_sc_scatter(EP, W, gather):
    EPW = EP // (NC * NS)
    NCHUNK = EPW // CH

    def body(*refs):
        if gather:
            src_hbm, dst_hbm, tab_hbm, out_hbm, sidx_v, didx_v, rows_v, acc_sh, sem = refs
        else:
            dst_hbm, out_hbm, didx_v, rows_v, acc_sh, sem = refs
        c = lax.axis_index("c")
        s = lax.axis_index("s")
        wid = s * NC + c

        _fill(rows_v, CH, W, 0.0)
        def zs(i, _):
            off = pl.multiple_of(s * STRIPE + i * CH, CH)
            pltpu.sync_copy(rows_v, acc_sh.at[pl.ds(off, CH)])
            return 0
        lax.fori_loop(0, STRIPE // CH, zs, 0)
        if not gather:
            _fill(rows_v, CH, W, 1.0)
        plsc.subcore_barrier()

        base = wid * EPW
        def step(j, _):
            off = pl.multiple_of(base + j * CH, 8)
            pltpu.sync_copy(dst_hbm.at[pl.ds(off, CH)], didx_v)
            if gather:
                pltpu.sync_copy(src_hbm.at[pl.ds(off, CH)], sidx_v)
                pltpu.async_copy(tab_hbm.at[sidx_v], rows_v, sem).wait()
            pltpu.sync_copy(rows_v, acc_sh.at[didx_v], add=True)
            return 0
        lax.fori_loop(0, NCHUNK, step, 0)
        plsc.subcore_barrier()

        off = pl.multiple_of(s * STRIPE, 8)
        pltpu.sync_copy(acc_sh.at[pl.ds(off, STRIPE)],
                        out_hbm.at[c, pl.ds(off, STRIPE)])

    scratch = []
    if gather:
        scratch.append(pltpu.VMEM((CH,), jnp.int32))
    scratch += [
        pltpu.VMEM((CH,), jnp.int32),
        pltpu.VMEM((CH, W), jnp.float32),
        pltpu.VMEM_SHARED((NP, W), jnp.float32),
        pltpu.SemaphoreType.DMA,
    ]
    return pl.kernel(
        body,
        out_type=jax.ShapeDtypeStruct((NC, NP, W), jnp.float32),
        mesh=_sc_mesh(),
        scratch_types=scratch,
        compiler_params=pltpu.CompilerParams(use_tc_tiling_on_sc=False),
    )


def _tc1(x_p, W1, d0, d1):
    B = 2048
    def body(x_ref, w_ref, d0_ref, d1_ref, o_ref):
        dinv = lax.rsqrt(1.0 + d0_ref[:, 0:1] + d1_ref[:, 0:1])
        h = jnp.dot(x_ref[...], w_ref[...], preferred_element_type=jnp.float32)
        o_ref[...] = h * dinv
    return pl.pallas_call(
        body,
        grid=(NP // B,),
        in_specs=[
            pl.BlockSpec((B, D), lambda i: (i, 0)),
            pl.BlockSpec((D, D), lambda i: (0, 0)),
            pl.BlockSpec((B, L2W), lambda i: (i, 0)),
            pl.BlockSpec((B, L2W), lambda i: (i, 0)),
        ],
        out_specs=pl.BlockSpec((B, D), lambda i: (i, 0)),
        out_shape=jax.ShapeDtypeStruct((NP, D), jnp.float32),
    )(x_p, W1, d0, d1)


def _tc2(a0, a1, g1, d0, d1, b1r, w2p):
    B = 2048
    def body(a0_ref, a1_ref, g1_ref, d0_ref, d1_ref, b1_ref, w2_ref, o_ref):
        dinv = lax.rsqrt(1.0 + d0_ref[:, 0:1] + d1_ref[:, 0:1])
        pre = dinv * (a0_ref[...] + a1_ref[...] + g1_ref[...]) + b1_ref[...]
        h = jnp.maximum(pre, 0.0)
        o_ref[...] = jnp.dot(h, w2_ref[...],
                             preferred_element_type=jnp.float32) * dinv
    return pl.pallas_call(
        body,
        grid=(NP // B,),
        in_specs=[
            pl.BlockSpec((B, D), lambda i: (i, 0)),
            pl.BlockSpec((B, D), lambda i: (i, 0)),
            pl.BlockSpec((B, D), lambda i: (i, 0)),
            pl.BlockSpec((B, L2W), lambda i: (i, 0)),
            pl.BlockSpec((B, L2W), lambda i: (i, 0)),
            pl.BlockSpec((1, D), lambda i: (0, 0)),
            pl.BlockSpec((D, L2W), lambda i: (0, 0)),
        ],
        out_specs=pl.BlockSpec((B, L2W), lambda i: (i, 0)),
        out_shape=jax.ShapeDtypeStruct((NP, L2W), jnp.float32),
    )(a0, a1, g1, d0, d1, b1r, w2p)


def _tc3(a0, a1, g2, d0, d1, b2r):
    B = 2000
    def body(a0_ref, a1_ref, g2_ref, d0_ref, d1_ref, b2_ref, o_ref):
        dinv = lax.rsqrt(1.0 + d0_ref[:, 0:1] + d1_ref[:, 0:1])
        pre = dinv * (a0_ref[...] + a1_ref[...] + g2_ref[...]) + b2_ref[...]
        logit = pre[:, 0:2]
        m = jnp.max(logit, axis=1, keepdims=True)
        e = jnp.exp(logit - m)
        o_ref[...] = e / jnp.sum(e, axis=1, keepdims=True)
    return pl.pallas_call(
        body,
        grid=(N // B,),
        in_specs=[
            pl.BlockSpec((B, L2W), lambda i: (i, 0)),
            pl.BlockSpec((B, L2W), lambda i: (i, 0)),
            pl.BlockSpec((B, L2W), lambda i: (i, 0)),
            pl.BlockSpec((B, L2W), lambda i: (i, 0)),
            pl.BlockSpec((B, L2W), lambda i: (i, 0)),
            pl.BlockSpec((1, L2W), lambda i: (0, 0)),
        ],
        out_specs=pl.BlockSpec((B, 2), lambda i: (i, 0)),
        out_shape=jax.ShapeDtypeStruct((N, 2), jnp.float32),
    )(a0, a1, g2, d0, d1, b2r)


def kernel(x, edge_index, W1, b1, W2, b2):
    E = edge_index.shape[1]
    EP = ((E + NC * NS * CH - 1) // (NC * NS * CH)) * (NC * NS * CH)
    pad = EP - E

    src = edge_index[0].astype(jnp.int32)
    dst = edge_index[1].astype(jnp.int32)
    if pad:
        fill = jnp.full((pad,), N, jnp.int32)
        src = jnp.concatenate([src, fill])
        dst = jnp.concatenate([dst, fill])
    x_p = jnp.pad(x, ((0, NP - N), (0, 0)))
    b1r = b1[None, :]
    w2p = jnp.pad(W2, ((0, 0), (0, L2W - W2.shape[1])))
    b2r = jnp.pad(b2, (0, L2W - b2.shape[0]))[None, :]

    degp = _make_sc_scatter(EP, L2W, gather=False)(dst)
    d0, d1 = degp[0], degp[1]
    g1 = _tc1(x_p, W1, d0, d1)
    acc1 = _make_sc_scatter(EP, D, gather=True)(src, dst, g1)
    g2 = _tc2(acc1[0], acc1[1], g1, d0, d1, b1r, w2p)
    acc2 = _make_sc_scatter(EP, L2W, gather=True)(src, dst, g2)
    return _tc3(acc2[0], acc2[1], g2, d0, d1, b2r)

# --- scband reference (transcript-rebuilt; emitter-appended) ---
"""Pipeline reference for scband-gcn-base-39668317946065 (READ-ONLY COPY).

The authoritative reference and input builder live on the scoring server;
editing this copy changes nothing except your own understanding.
"""

import jax, jax.numpy as jnp
import numpy as np

N = 10000
E = 320000
D = 128
H = 128
OUT = 2

def setup_inputs(seed: int = 0) -> dict:
    key = jax.random.key(seed)
    k1, k2, k3, k4 = jax.random.split(key, 4)
    x = jax.random.normal(k1, (N, D), dtype=jnp.float32)
    edge_index = jax.random.randint(k2, (2, E), 0, N)
    W1 = jax.random.normal(k3, (D, H), dtype=jnp.float32) * (1.0 / np.sqrt(D))
    b1 = jnp.zeros((H,), dtype=jnp.float32)
    W2 = jax.random.normal(k4, (H, OUT), dtype=jnp.float32) * (1.0 / np.sqrt(H))
    b2 = jnp.zeros((OUT,), dtype=jnp.float32)
    return {"x": x, "edge_index": edge_index, "W1": W1, "b1": b1, "W2": W2, "b2": b2}

def _gcn_conv(x, src, dst, W, b, n):
    # GCNConv (PyG default): linear transform, then sym-normalized scatter-add aggregation
    deg = jnp.zeros((n,), x.dtype).at[dst].add(1.0)
    dinv = jax.lax.rsqrt(deg)  # self-loops guarantee deg >= 1
    norm = dinv[src] * dinv[dst]
    h = x @ W
    out = jnp.zeros((n, h.shape[1]), x.dtype).at[dst].add(h[src] * norm[:, None])
    return out + b

def reference(x, edge_index, W1, b1, W2, b2):
    n = x.shape[0]
    loop = jnp.arange(n, dtype=edge_index.dtype)
    src = jnp.concatenate([edge_index[0], loop])
    dst = jnp.concatenate([edge_index[1], loop])
    h = _gcn_conv(x, src, dst, W1, b1, n)
    h = jax.nn.relu(h)
    # F.dropout(p=0.5, training=self.training): identity in eval mode
    out = _gcn_conv(h, src, dst, W2, b2, n)
    return jax.nn.softmax(out, axis=1)

if __name__ == "__main__":
    import jax
    _d = setup_inputs()
    print(jax.jit(kernel)(*tuple(_d.values())))

</pallas_src>

<mosaic_0001>
#map = affine_map<(d0, d1) -> (0)>
#map1 = affine_map<(d0, d1) -> (0, 0)>
#map2 = affine_map<(d0, d1) -> (0, 0, 0)>
module attributes {stable_mosaic.version = 14 : i64} {
  func.func @body(%arg0: i32, %arg1: i32, %arg2: memref<323584xi32, #tpu.memory_space<hbm>>, %arg3: memref<323584xi32, #tpu.memory_space<hbm>>, %arg4: memref<10240x128xf32, #tpu.memory_space<hbm>>, %arg5: memref<2x10240x128xf32, #tpu.memory_space<hbm>>, %arg6: memref<128xi32, #tpu.memory_space<vmem>>, %arg7: memref<128xi32, #tpu.memory_space<vmem>>, %arg8: memref<128x128xf32, #tpu.memory_space<vmem>>, %arg9: memref<10240x128xf32, #tpu.memory_space<vmem_shared>>, %arg10: memref<!tpu.dma_semaphore, #tpu.memory_space<semaphore_mem>>) attributes {dimension_semantics = [#tpu.dimension_semantics<core_parallel>, #tpu.dimension_semantics<subcore_parallel>], iteration_bounds = array<i64: 2, 16>, scalar_prefetch = 0 : i64, scratch_operands = 5 : i64, tpu.core_type = #tpu.core_type<sc_vector_subcore>, window_params = [{transform_indices = #map}, {transform_indices = #map}, {transform_indices = #map1}, {transform_indices = #map2}]} {
    %mul3A = arith.constant 2 : i32
    %mul3A_0 = arith.muli %arg1, %mul3A : i32
    %add3A = arith.addi %mul3A_0, %arg0 : i32
    %scan3A = arith.constant 0 : i32
    %scan3A_1 = arith.constant 0 : i32
    %scan3A_2 = arith.constant 128 : i32
    %scan3A_3 = arith.addi %scan3A_1, %scan3A_2 : i32
    %scan3A_4 = arith.constant 1 : i32
    %scan3A_5 = scf.for %scan3A_26 = %scan3A_1 to %scan3A_3 step %scan3A_4 iter_args(%scan3A_27 = %scan3A) -> (i32)  : i32 {
      %scan3A_28 = arith.constant 0 : i32
      %scan3A_29 = arith.constant 0 : i32
      %scan3A_30 = arith.constant 8 : i32
      %scan3A_31 = arith.addi %scan3A_29, %scan3A_30 : i32
      %scan3A_32 = arith.constant 1 : i32
      %scan3A_33 = scf.for %scan3A_35 = %scan3A_29 to %scan3A_31 step %scan3A_32 iter_args(%scan3A_36 = %scan3A_28) -> (i32)  : i32 {
        %broadcast_in_dim3A = arith.constant 0.000000e+00 : f32
        %broadcast_in_dim3A_37 = vector.broadcast %broadcast_in_dim3A : f32 to vector<16xf32>
        %mul3A_38 = arith.constant 16 : i32
        %mul3A_39 = arith.muli %scan3A_35, %mul3A_38 : i32
        %multiple_of3A_40 = tpu.assume_multiple %mul3A_39, 16 : i32
        %swap3A = arith.index_cast %scan3A_26 : i32 to index
        %swap3A_41 = arith.index_cast %multiple_of3A_40 : i32 to index
        %swap3A_42 = tpu.vector_load %arg8[%swap3A, %swap3A_41] {strides = array<i32>} : memref<128x128xf32, #tpu.memory_space<vmem>>, vector<1x16xf32>,
        %swap3A_43 = vector.shape_cast %swap3A_42 : vector<1x16xf32> to vector<16xf32>
        %swap3A_44 = vector.shape_cast %broadcast_in_dim3A_37 : vector<16xf32> to vector<1x16xf32>
        tpu.vector_store %arg8[%swap3A, %swap3A_41], %swap3A_44 {strides = array<i32>} : memref<128x128xf32, #tpu.memory_space<vmem>>, vector<1x16xf32>,
        %scan3A_45 = arith.constant 0 : i32
        scf.yield %scan3A_45 : i32
      }
      %scan3A_34 = arith.constant 8 : i32
      scf.yield %scan3A_33 : i32
    }
    %scan3A_6 = arith.constant 128 : i32
    %scan3A_7 = arith.constant 0 : i32
    %scan3A_8 = arith.constant 0 : i32
    %scan3A_9 = arith.constant 5 : i32
    %scan3A_10 = arith.addi %scan3A_8, %scan3A_9 : i32
    %scan3A_11 = arith.constant 1 : i32
    %scan3A_12 = scf.for %scan3A_26 = %scan3A_8 to %scan3A_10 step %scan3A_11 iter_args(%scan3A_27 = %scan3A_7) -> (i32)  : i32 {
      %mul3A_28 = arith.constant 640 : i32
      %mul3A_29 = arith.muli %arg1, %mul3A_28 : i32
      %mul3A_30 = arith.constant 128 : i32
      %mul3A_31 = arith.muli %scan3A_26, %mul3A_30 : i32
      %add3A_32 = arith.addi %mul3A_29, %mul3A_31 : i32
      %multiple_of3A_33 = tpu.assume_multiple %add3A_32, 128 : i32
      "tpu.region"() ({
        %run_scoped3A = tpu.sem_alloc : memref<!tpu.dma_semaphore, #tpu.memory_space<semaphore_mem>>
        %dma_start3A = arith.constant 0 : i32
        %dma_start3A_35 = tpu.memref_slice %arg9[%multiple_of3A_33, %dma_start3A] : memref<10240x128xf32, #tpu.memory_space<vmem_shared>> -> memref<128x128xf32, #tpu.memory_space<vmem_shared>>
        %dma_start3A_36 = arith.constant 0 : i32
        %dma_start3A_37 = tpu.memref_slice %arg9[%multiple_of3A_33, %dma_start3A_36] : memref<10240x128xf32, #tpu.memory_space<vmem_shared>> -> memref<128x128xf32, #tpu.memory_space<vmem_shared>>
        tpu.enqueue_dma source(%arg8 : memref<128x128xf32, #tpu.memory_space<vmem>>) target(%dma_start3A_37 : memref<128x128xf32, #tpu.memory_space<vmem_shared>>) target_semaphore(%run_scoped3A : memref<!tpu.dma_semaphore, #tpu.memory_space<semaphore_mem>>)
        %dma_wait3A = arith.constant 0 : i32
        %dma_wait3A_38 = tpu.memref_slice %arg9[%multiple_of3A_33, %dma_wait3A] : memref<10240x128xf32, #tpu.memory_space<vmem_shared>> -> memref<128x128xf32, #tpu.memory_space<vmem_shared>>
        %dma_wait3A_39 = arith.constant 0 : i32
        %dma_wait3A_40 = tpu.memref_slice %arg9[%multiple_of3A_33, %dma_wait3A_39] : memref<10240x128xf32, #tpu.memory_space<vmem_shared>> -> memref<128x128xf32, #tpu.memory_space<vmem_shared>>
        tpu.wait_dma2 semaphore(%run_scoped3A : memref<!tpu.dma_semaphore, #tpu.memory_space<semaphore_mem>>) src(%arg8 : memref<128x128xf32, #tpu.memory_space<vmem>>) dst(%dma_wait3A_40 : memref<128x128xf32, #tpu.memory_space<vmem_shared>>)
        tpu.yield
      }) : () -> ()
      %scan3A_34 = arith.constant 0 : i32
      scf.yield %scan3A_34 : i32
    }
    %scan3A_13 = arith.constant 5 : i32
    %barrier3A = arith.constant 0 : index
    tpu.barrier barrier_id(%barrier3A)
    %mul3A_14 = arith.constant 10112 : i32
    %mul3A_15 = arith.muli %add3A, %mul3A_14 : i32
    %scan3A_16 = arith.constant 0 : i32
    %scan3A_17 = arith.constant 0 : i32
    %scan3A_18 = arith.constant 79 : i32
    %scan3A_19 = arith.addi %scan3A_17, %scan3A_18 : i32
    %scan3A_20 = arith.constant 1 : i32
    %scan3A_21 = scf.for %scan3A_26 = %scan3A_17 to %scan3A_19 step %scan3A_20 iter_args(%scan3A_27 = %scan3A_16) -> (i32)  : i32 {
      %mul3A_28 = arith.constant 128 : i32
      %mul3A_29 = arith.muli %scan3A_26, %mul3A_28 : i32
      %add3A_30 = arith.addi %mul3A_15, %mul3A_29 : i32
      %multiple_of3A_31 = tpu.assume_multiple %add3A_30, 8 : i32
      "tpu.region"() ({
        %run_scoped3A = tpu.sem_alloc : memref<!tpu.dma_semaphore, #tpu.memory_space<semaphore_mem>>
        %dma_start3A_37 = tpu.memref_slice %arg3[%multiple_of3A_31] : memref<323584xi32, #tpu.memory_space<hbm>> -> memref<128xi32, #tpu.memory_space<hbm>>
        %dma_start3A_38 = tpu.memref_slice %arg3[%multiple_of3A_31] : memref<323584xi32, #tpu.memory_space<hbm>> -> memref<128xi32, #tpu.memory_space<hbm>>
        tpu.enqueue_dma source(%dma_start3A_38 : memref<128xi32, #tpu.memory_space<hbm>>) target(%arg7 : memref<128xi32, #tpu.memory_space<vmem>>) target_semaphore(%run_scoped3A : memref<!tpu.dma_semaphore, #tpu.memory_space<semaphore_mem>>)
        %dma_wait3A_39 = tpu.memref_slice %arg3[%multiple_of3A_31] : memref<323584xi32, #tpu.memory_space<hbm>> -> memref<128xi32, #tpu.memory_space<hbm>>
        %dma_wait3A_40 = tpu.memref_slice %arg3[%multiple_of3A_31] : memref<323584xi32, #tpu.memory_space<hbm>> -> memref<128xi32, #tpu.memory_space<hbm>>
        tpu.wait_dma2 semaphore(%run_scoped3A : memref<!tpu.dma_semaphore, #tpu.memory_space<semaphore_mem>>) src(%dma_wait3A_40 : memref<128xi32, #tpu.memory_space<hbm>>) dst(%arg7 : memref<128xi32, #tpu.memory_space<vmem>>)
        tpu.yield
      }) : () -> ()
      "tpu.region"() ({
        %run_scoped3A = tpu.sem_alloc : memref<!tpu.dma_semaphore, #tpu.memory_space<semaphore_mem>>
        %dma_start3A_37 = tpu.memref_slice %arg2[%multiple_of3A_31] : memref<323584xi32, #tpu.memory_space<hbm>> -> memref<128xi32, #tpu.memory_space<hbm>>
        %dma_start3A_38 = tpu.memref_slice %arg2[%multiple_of3A_31] : memref<323584xi32, #tpu.memory_space<hbm>> -> memref<128xi32, #tpu.memory_space<hbm>>
        tpu.enqueue_dma source(%dma_start3A_38 : memref<128xi32, #tpu.memory_space<hbm>>) target(%arg6 : memref<128xi32, #tpu.memory_space<vmem>>) target_semaphore(%run_scoped3A : memref<!tpu.dma_semaphore, #tpu.memory_space<semaphore_mem>>)
        %dma_wait3A_39 = tpu.memref_slice %arg2[%multiple_of3A_31] : memref<323584xi32, #tpu.memory_space<hbm>> -> memref<128xi32, #tpu.memory_space<hbm>>
        %dma_wait3A_40 = tpu.memref_slice %arg2[%multiple_of3A_31] : memref<323584xi32, #tpu.memory_space<hbm>> -> memref<128xi32, #tpu.memory_space<hbm>>
        tpu.wait_dma2 semaphore(%run_scoped3A : memref<!tpu.dma_semaphore, #tpu.memory_space<semaphore_mem>>) src(%dma_wait3A_40 : memref<128xi32, #tpu.memory_space<hbm>>) dst(%arg6 : memref<128xi32, #tpu.memory_space<vmem>>)
        tpu.yield
      }) : () -> ()
      %dma_start3A = arith.constant 0 : i32
      %dma_start3A_32 = arith.constant 0 : i32
      %dma_start3A_33 = tpu.memref_slice %arg4[%dma_start3A, %dma_start3A_32] : memref<10240x128xf32, #tpu.memory_space<hbm>> -> memref<10240x128xf32, #tpu.memory_space<hbm>>
      tpu.enqueue_indirect_dma source(%dma_start3A_33 : memref<10240x128xf32, #tpu.memory_space<hbm>>) target(%arg8 : memref<128x128xf32, #tpu.memory_space<vmem>>) offsets(%arg6 : memref<128xi32, #tpu.memory_space<vmem>>) semaphore(%arg10 : memref<!tpu.dma_semaphore, #tpu.memory_space<semaphore_mem>>)
      %dma_wait3A = arith.constant 0 : i32
      %dma_wait3A_34 = arith.constant 0 : i32
      %dma_wait3A_35 = tpu.memref_slice %arg4[%dma_wait3A, %dma_wait3A_34] : memref<10240x128xf32, #tpu.memory_space<hbm>> -> memref<10240x128xf32, #tpu.memory_space<hbm>>
      tpu.wait_indirect_dma semaphore(%arg10 : memref<!tpu.dma_semaphore, #tpu.memory_space<semaphore_mem>>) src(%dma_wait3A_35 : memref<10240x128xf32, #tpu.memory_space<hbm>>) dst(%arg8 : memref<128x128xf32, #tpu.memory_space<vmem>>)
      "tpu.region"() ({
        %run_scoped3A = tpu.sem_alloc : memref<!tpu.dma_semaphore, #tpu.memory_space<semaphore_mem>>
        %dma_start3A_37 = arith.constant 0 : i32
        %dma_start3A_38 = arith.constant 0 : i32
        %dma_start3A_39 = tpu.memref_slice %arg9[%dma_start3A_37, %dma_start3A_38] : memref<10240x128xf32, #tpu.memory_space<vmem_shared>> -> memref<10240x128xf32, #tpu.memory_space<vmem_shared>>
        tpu.enqueue_indirect_dma source(%arg8 : memref<128x128xf32, #tpu.memory_space<vmem>>) target(%dma_start3A_39 : memref<10240x128xf32, #tpu.memory_space<vmem_shared>>) offsets(%arg7 : memref<128xi32, #tpu.memory_space<vmem>>) semaphore(%run_scoped3A : memref<!tpu.dma_semaphore, #tpu.memory_space<semaphore_mem>>) {add = true}
        %dma_wait3A_40 = arith.constant 0 : i32
        %dma_wait3A_41 = arith.constant 0 : i32
        %dma_wait3A_42 = tpu.memref_slice %arg9[%dma_wait3A_40, %dma_wait3A_41] : memref<10240x128xf32, #tpu.memory_space<vmem_shared>> -> memref<10240x128xf32, #tpu.memory_space<vmem_shared>>
        tpu.wait_indirect_dma semaphore(%run_scoped3A : memref<!tpu.dma_semaphore, #tpu.memory_space<semaphore_mem>>) src(%arg8 : memref<128x128xf32, #tpu.memory_space<vmem>>) dst(%dma_wait3A_42 : memref<10240x128xf32, #tpu.memory_space<vmem_shared>>)
        tpu.yield
      }) : () -> ()
      %scan3A_36 = arith.constant 0 : i32
      scf.yield %scan3A_36 : i32
    }
    %scan3A_22 = arith.constant 79 : i32
    %barrier3A_23 = arith.constant 0 : index
    tpu.barrier barrier_id(%barrier3A_23)
    %mul3A_24 = arith.constant 640 : i32
    %mul3A_25 = arith.muli %arg1, %mul3A_24 : i32
    %multiple_of3A = tpu.assume_multiple %mul3A_25, 8 : i32
    "tpu.region"() ({
      %run_scoped3A = tpu.sem_alloc : memref<!tpu.dma_semaphore, #tpu.memory_space<semaphore_mem>>
      %dma_start3A = arith.constant 0 : i32
      %dma_start3A_26 = tpu.memref_slice %arg5[%arg0, %multiple_of3A, %dma_start3A] : memref<2x10240x128xf32, #tpu.memory_space<hbm>> -> memref<1x640x128xf32, #tpu.memory_space<hbm>>
      %dma_start3A_27 = tpu.memref_squeeze %dma_start3A_26 : memref<1x640x128xf32, #tpu.memory_space<hbm>> -> memref<640x128xf32, #tpu.memory_space<hbm>>
      %dma_start3A_28 = arith.constant 0 : i32
      %dma_start3A_29 = tpu.memref_slice %arg9[%multiple_of3A, %dma_start3A_28] : memref<10240x128xf32, #tpu.memory_space<vmem_shared>> -> memref<640x128xf32, #tpu.memory_space<vmem_shared>>
      tpu.enqueue_dma source(%dma_start3A_29 : memref<640x128xf32, #tpu.memory_space<vmem_shared>>) target(%dma_start3A_27 : memref<640x128xf32, #tpu.memory_space<hbm>>) target_semaphore(%run_scoped3A : memref<!tpu.dma_semaphore, #tpu.memory_space<semaphore_mem>>)
      %dma_wait3A = arith.constant 0 : i32
      %dma_wait3A_30 = tpu.memref_slice %arg5[%arg0, %multiple_of3A, %dma_wait3A] : memref<2x10240x128xf32, #tpu.memory_space<hbm>> -> memref<1x640x128xf32, #tpu.memory_space<hbm>>
      %dma_wait3A_31 = tpu.memref_squeeze %dma_wait3A_30 : memref<1x640x128xf32, #tpu.memory_space<hbm>> -> memref<640x128xf32, #tpu.memory_space<hbm>>
      %dma_wait3A_32 = arith.constant 0 : i32
      %dma_wait3A_33 = tpu.memref_slice %arg9[%multiple_of3A, %dma_wait3A_32] : memref<10240x128xf32, #tpu.memory_space<vmem_shared>> -> memref<640x128xf32, #tpu.memory_space<vmem_shared>>
      tpu.wait_dma2 semaphore(%run_scoped3A : memref<!tpu.dma_semaphore, #tpu.memory_space<semaphore_mem>>) src(%dma_wait3A_33 : memref<640x128xf32, #tpu.memory_space<vmem_shared>>) dst(%dma_wait3A_31 : memref<640x128xf32, #tpu.memory_space<hbm>>)
      tpu.yield
    }) : () -> ()
    return
  }
}

#map = affine_map<(d0, d1) -> (0)>
#map1 = affine_map<(d0, d1) -> (0, 0, 0)>
module attributes {stable_mosaic.version = 14 : i64} {
  func.func @body(%arg0: i32, %arg1: i32, %arg2: memref<323584xi32, #tpu.memory_space<hbm>>, %arg3: memref<2x10240x16xf32, #tpu.memory_space<hbm>>, %arg4: memref<128xi32, #tpu.memory_space<vmem>>, %arg5: memref<128x16xf32, #tpu.memory_space<vmem>>, %arg6: memref<10240x16xf32, #tpu.memory_space<vmem_shared>>, %arg7: memref<!tpu.dma_semaphore, #tpu.memory_space<semaphore_mem>>) attributes {dimension_semantics = [#tpu.dimension_semantics<core_parallel>, #tpu.dimension_semantics<subcore_parallel>], iteration_bounds = array<i64: 2, 16>, scalar_prefetch = 0 : i64, scratch_operands = 4 : i64, tpu.core_type = #tpu.core_type<sc_vector_subcore>, window_params = [{transform_indices = #map}, {transform_indices = #map1}]} {
    %mul3A = arith.constant 2 : i32
    %mul3A_0 = arith.muli %arg1, %mul3A : i32
    %add3A = arith.addi %mul3A_0, %arg0 : i32
    %scan3A = arith.constant 0 : i32
    %scan3A_1 = arith.constant 0 : i32
    %scan3A_2 = arith.constant 128 : i32
    %scan3A_3 = arith.addi %scan3A_1, %scan3A_2 : i32
    %scan3A_4 = arith.constant 1 : i32
    %scan3A_5 = scf.for %scan3A_33 = %scan3A_1 to %scan3A_3 step %scan3A_4 iter_args(%scan3A_34 = %scan3A) -> (i32)  : i32 {
      %scan3A_35 = arith.constant 0 : i32
      %scan3A_36 = arith.constant 0 : i32
      %broadcast_in_dim3A = arith.constant 0.000000e+00 : f32
      %broadcast_in_dim3A_37 = vector.broadcast %broadcast_in_dim3A : f32 to vector<16xf32>
      %mul3A_38 = arith.constant 16 : i32
      %mul3A_39 = arith.muli %scan3A_36, %mul3A_38 : i32
      %multiple_of3A_40 = tpu.assume_multiple %mul3A_39, 16 : i32
      %swap3A = arith.index_cast %scan3A_33 : i32 to index
      %swap3A_41 = arith.index_cast %multiple_of3A_40 : i32 to index
      %swap3A_42 = tpu.vector_load %arg5[%swap3A, %swap3A_41] {strides = array<i32>} : memref<128x16xf32, #tpu.memory_space<vmem>>, vector<1x16xf32>,
      %swap3A_43 = vector.shape_cast %swap3A_42 : vector<1x16xf32> to vector<16xf32>
      %swap3A_44 = vector.shape_cast %broadcast_in_dim3A_37 : vector<16xf32> to vector<1x16xf32>
      tpu.vector_store %arg5[%swap3A, %swap3A_41], %swap3A_44 {strides = array<i32>} : memref<128x16xf32, #tpu.memory_space<vmem>>, vector<1x16xf32>,
      %scan3A_45 = arith.constant 0 : i32
      %scan3A_46 = arith.constant 1 : i32
      scf.yield %scan3A_45 : i32
    }
    %scan3A_6 = arith.constant 128 : i32
    %scan3A_7 = arith.constant 0 : i32
    %scan3A_8 = arith.constant 0 : i32
    %scan3A_9 = arith.constant 5 : i32
    %scan3A_10 = arith.addi %scan3A_8, %scan3A_9 : i32
    %scan3A_11 = arith.constant 1 : i32
    %scan3A_12 = scf.for %scan3A_33 = %scan3A_8 to %scan3A_10 step %scan3A_11 iter_args(%scan3A_34 = %scan3A_7) -> (i32)  : i32 {
      %mul3A_35 = arith.constant 640 : i32
      %mul3A_36 = arith.muli %arg1, %mul3A_35 : i32
      %mul3A_37 = arith.constant 128 : i32
      %mul3A_38 = arith.muli %scan3A_33, %mul3A_37 : i32
      %add3A_39 = arith.addi %mul3A_36, %mul3A_38 : i32
      %multiple_of3A_40 = tpu.assume_multiple %add3A_39, 128 : i32
      "tpu.region"() ({
        %run_scoped3A = tpu.sem_alloc : memref<!tpu.dma_semaphore, #tpu.memory_space<semaphore_mem>>
        %dma_start3A = arith.constant 0 : i32
        %dma_start3A_42 = tpu.memref_slice %arg6[%multiple_of3A_40, %dma_start3A] : memref<10240x16xf32, #tpu.memory_space<vmem_shared>> -> memref<128x16xf32, #tpu.memory_space<vmem_shared>>
        %dma_start3A_43 = arith.constant 0 : i32
        %dma_start3A_44 = tpu.memref_slice %arg6[%multiple_of3A_40, %dma_start3A_43] : memref<10240x16xf32, #tpu.memory_space<vmem_shared>> -> memref<128x16xf32, #tpu.memory_space<vmem_shared>>
        tpu.enqueue_dma source(%arg5 : memref<128x16xf32, #tpu.memory_space<vmem>>) target(%dma_start3A_44 : memref<128x16xf32, #tpu.memory_space<vmem_shared>>) target_semaphore(%run_scoped3A : memref<!tpu.dma_semaphore, #tpu.memory_space<semaphore_mem>>)
        %dma_wait3A = arith.constant 0 : i32
        %dma_wait3A_45 = tpu.memref_slice %arg6[%multiple_of3A_40, %dma_wait3A] : memref<10240x16xf32, #tpu.memory_space<vmem_shared>> -> memref<128x16xf32, #tpu.memory_space<vmem_shared>>
        %dma_wait3A_46 = arith.constant 0 : i32
        %dma_wait3A_47 = tpu.memref_slice %arg6[%multiple_of3A_40, %dma_wait3A_46] : memref<10240x16xf32, #tpu.memory_space<vmem_shared>> -> memref<128x16xf32, #tpu.memory_space<vmem_shared>>
        tpu.wait_dma2 semaphore(%run_scoped3A : memref<!tpu.dma_semaphore, #tpu.memory_space<semaphore_mem>>) src(%arg5 : memref<128x16xf32, #tpu.memory_space<vmem>>) dst(%dma_wait3A_47 : memref<128x16xf32, #tpu.memory_space<vmem_shared>>)
        tpu.yield
      }) : () -> ()
      %scan3A_41 = arith.constant 0 : i32
      scf.yield %scan3A_41 : i32
    }
    %scan3A_13 = arith.constant 5 : i32
    %scan3A_14 = arith.constant 0 : i32
    %scan3A_15 = arith.constant 0 : i32
    %scan3A_16 = arith.constant 128 : i32
    %scan3A_17 = arith.addi %scan3A_15, %scan3A_16 : i32
    %scan3A_18 = arith.constant 1 : i32
    %scan3A_19 = scf.for %scan3A_33 = %scan3A_15 to %scan3A_17 step %scan3A_18 iter_args(%scan3A_34 = %scan3A_14) -> (i32)  : i32 {
      %scan3A_35 = arith.constant 0 : i32
      %scan3A_36 = arith.constant 0 : i32
      %broadcast_in_dim3A = arith.constant 1.000000e+00 : f32
      %broadcast_in_dim3A_37 = vector.broadcast %broadcast_in_dim3A : f32 to vector<16xf32>
      %mul3A_38 = arith.constant 16 : i32
      %mul3A_39 = arith.muli %scan3A_36, %mul3A_38 : i32
      %multiple_of3A_40 = tpu.assume_multiple %mul3A_39, 16 : i32
      %swap3A = arith.index_cast %scan3A_33 : i32 to index
      %swap3A_41 = arith.index_cast %multiple_of3A_40 : i32 to index
      %swap3A_42 = tpu.vector_load %arg5[%swap3A, %swap3A_41] {strides = array<i32>} : memref<128x16xf32, #tpu.memory_space<vmem>>, vector<1x16xf32>,
      %swap3A_43 = vector.shape_cast %swap3A_42 : vector<1x16xf32> to vector<16xf32>
      %swap3A_44 = vector.shape_cast %broadcast_in_dim3A_37 : vector<16xf32> to vector<1x16xf32>
      tpu.vector_store %arg5[%swap3A, %swap3A_41], %swap3A_44 {strides = array<i32>} : memref<128x16xf32, #tpu.memory_space<vmem>>, vector<1x16xf32>,
      %scan3A_45 = arith.constant 0 : i32
      %scan3A_46 = arith.constant 1 : i32
      scf.yield %scan3A_45 : i32
    }
    %scan3A_20 = arith.constant 128 : i32
    %barrier3A = arith.constant 0 : index
    tpu.barrier barrier_id(%barrier3A)
    %mul3A_21 = arith.constant 10112 : i32
    %mul3A_22 = arith.muli %add3A, %mul3A_21 : i32
    %scan3A_23 = arith.constant 0 : i32
    %scan3A_24 = arith.constant 0 : i32
    %scan3A_25 = arith.constant 79 : i32
    %scan3A_26 = arith.addi %scan3A_24, %scan3A_25 : i32
    %scan3A_27 = arith.constant 1 : i32
    %scan3A_28 = scf.for %scan3A_33 = %scan3A_24 to %scan3A_26 step %scan3A_27 iter_args(%scan3A_34 = %scan3A_23) -> (i32)  : i32 {
      %mul3A_35 = arith.constant 128 : i32
      %mul3A_36 = arith.muli %scan3A_33, %mul3A_35 : i32
      %add3A_37 = arith.addi %mul3A_22, %mul3A_36 : i32
      %multiple_of3A_38 = tpu.assume_multiple %add3A_37, 8 : i32
      "tpu.region"() ({
        %run_scoped3A = tpu.sem_alloc : memref<!tpu.dma_semaphore, #tpu.memory_space<semaphore_mem>>
        %dma_start3A = tpu.memref_slice %arg2[%multiple_of3A_38] : memref<323584xi32, #tpu.memory_space<hbm>> -> memref<128xi32, #tpu.memory_space<hbm>>
        %dma_start3A_40 = tpu.memref_slice %arg2[%multiple_of3A_38] : memref<323584xi32, #tpu.memory_space<hbm>> -> memref<128xi32, #tpu.memory_space<hbm>>
        tpu.enqueue_dma source(%dma_start3A_40 : memref<128xi32, #tpu.memory_space<hbm>>) target(%arg4 : memref<128xi32, #tpu.memory_space<vmem>>) target_semaphore(%run_scoped3A : memref<!tpu.dma_semaphore, #tpu.memory_space<semaphore_mem>>)
        %dma_wait3A = tpu.memref_slice %arg2[%multiple_of3A_38] : memref<323584xi32, #tpu.memory_space<hbm>> -> memref<128xi32, #tpu.memory_space<hbm>>
        %dma_wait3A_41 = tpu.memref_slice %arg2[%multiple_of3A_38] : memref<323584xi32, #tpu.memory_space<hbm>> -> memref<128xi32, #tpu.memory_space<hbm>>
        tpu.wait_dma2 semaphore(%run_scoped3A : memref<!tpu.dma_semaphore, #tpu.memory_space<semaphore_mem>>) src(%dma_wait3A_41 : memref<128xi32, #tpu.memory_space<hbm>>) dst(%arg4 : memref<128xi32, #tpu.memory_space<vmem>>)
        tpu.yield
      }) : () -> ()
      "tpu.region"() ({
        %run_scoped3A = tpu.sem_alloc : memref<!tpu.dma_semaphore, #tpu.memory_space<semaphore_mem>>
        %dma_start3A = arith.constant 0 : i32
        %dma_start3A_40 = arith.constant 0 : i32
        %dma_start3A_41 = tpu.memref_slice %arg6[%dma_start3A, %dma_start3A_40] : memref<10240x16xf32, #tpu.memory_space<vmem_shared>> -> memref<10240x16xf32, #tpu.memory_space<vmem_shared>>
        tpu.enqueue_indirect_dma source(%arg5 : memref<128x16xf32, #tpu.memory_space<vmem>>) target(%dma_start3A_41 : memref<10240x16xf32, #tpu.memory_space<vmem_shared>>) offsets(%arg4 : memref<128xi32, #tpu.memory_space<vmem>>) semaphore(%run_scoped3A : memref<!tpu.dma_semaphore, #tpu.memory_space<semaphore_mem>>) {add = true}
        %dma_wait3A = arith.constant 0 : i32
        %dma_wait3A_42 = arith.constant 0 : i32
        %dma_wait3A_43 = tpu.memref_slice %arg6[%dma_wait3A, %dma_wait3A_42] : memref<10240x16xf32, #tpu.memory_space<vmem_shared>> -> memref<10240x16xf32, #tpu.memory_space<vmem_shared>>
        tpu.wait_indirect_dma semaphore(%run_scoped3A : memref<!tpu.dma_semaphore, #tpu.memory_space<semaphore_mem>>) src(%arg5 : memref<128x16xf32, #tpu.memory_space<vmem>>) dst(%dma_wait3A_43 : memref<10240x16xf32, #tpu.memory_space<vmem_shared>>)
        tpu.yield
      }) : () -> ()
      %scan3A_39 = arith.constant 0 : i32
      scf.yield %scan3A_39 : i32
    }
    %scan3A_29 = arith.constant 79 : i32
    %barrier3A_30 = arith.constant 0 : index
    tpu.barrier barrier_id(%barrier3A_30)
    %mul3A_31 = arith.constant 640 : i32
    %mul3A_32 = arith.muli %arg1, %mul3A_31 : i32
    %multiple_of3A = tpu.assume_multiple %mul3A_32, 8 : i32
    "tpu.region"() ({
      %run_scoped3A = tpu.sem_alloc : memref<!tpu.dma_semaphore, #tpu.memory_space<semaphore_mem>>
      %dma_start3A = arith.constant 0 : i32
      %dma_start3A_33 = tpu.memref_slice %arg3[%arg0, %multiple_of3A, %dma_start3A] : memref<2x10240x16xf32, #tpu.memory_space<hbm>> -> memref<1x640x16xf32, #tpu.memory_space<hbm>>
      %dma_start3A_34 = tpu.memref_squeeze %dma_start3A_33 : memref<1x640x16xf32, #tpu.memory_space<hbm>> -> memref<640x16xf32, #tpu.memory_space<hbm>>
      %dma_start3A_35 = arith.constant 0 : i32
      %dma_start3A_36 = tpu.memref_slice %arg6[%multiple_of3A, %dma_start3A_35] : memref<10240x16xf32, #tpu.memory_space<vmem_shared>> -> memref<640x16xf32, #tpu.memory_space<vmem_shared>>
      tpu.enqueue_dma source(%dma_start3A_36 : memref<640x16xf32, #tpu.memory_space<vmem_shared>>) target(%dma_start3A_34 : memref<640x16xf32, #tpu.memory_space<hbm>>) target_semaphore(%run_scoped3A : memref<!tpu.dma_semaphore, #tpu.memory_space<semaphore_mem>>)
      %dma_wait3A = arith.constant 0 : i32
      %dma_wait3A_37 = tpu.memref_slice %arg3[%arg0, %multiple_of3A, %dma_wait3A] : memref<2x10240x16xf32, #tpu.memory_space<hbm>> -> memref<1x640x16xf32, #tpu.memory_space<hbm>>
      %dma_wait3A_38 = tpu.memref_squeeze %dma_wait3A_37 : memref<1x640x16xf32, #tpu.memory_space<hbm>> -> memref<640x16xf32, #tpu.memory_space<hbm>>
      %dma_wait3A_39 = arith.constant 0 : i32
      %dma_wait3A_40 = tpu.memref_slice %arg6[%multiple_of3A, %dma_wait3A_39] : memref<10240x16xf32, #tpu.memory_space<vmem_shared>> -> memref<640x16xf32, #tpu.memory_space<vmem_shared>>
      tpu.wait_dma2 semaphore(%run_scoped3A : memref<!tpu.dma_semaphore, #tpu.memory_space<semaphore_mem>>) src(%dma_wait3A_40 : memref<640x16xf32, #tpu.memory_space<vmem_shared>>) dst(%dma_wait3A_38 : memref<640x16xf32, #tpu.memory_space<hbm>>)
      tpu.yield
    }) : () -> ()
    return
  }
}

#map = affine_map<(d0, d1) -> (0)>
#map1 = affine_map<(d0, d1) -> (0, 0)>
#map2 = affine_map<(d0, d1) -> (0, 0, 0)>
module attributes {stable_mosaic.version = 14 : i64} {
  func.func @body(%arg0: i32, %arg1: i32, %arg2: memref<323584xi32, #tpu.memory_space<hbm>>, %arg3: memref<323584xi32, #tpu.memory_space<hbm>>, %arg4: memref<10240x16xf32, #tpu.memory_space<hbm>>, %arg5: memref<2x10240x16xf32, #tpu.memory_space<hbm>>, %arg6: memref<128xi32, #tpu.memory_space<vmem>>, %arg7: memref<128xi32, #tpu.memory_space<vmem>>, %arg8: memref<128x16xf32, #tpu.memory_space<vmem>>, %arg9: memref<10240x16xf32, #tpu.memory_space<vmem_shared>>, %arg10: memref<!tpu.dma_semaphore, #tpu.memory_space<semaphore_mem>>) attributes {dimension_semantics = [#tpu.dimension_semantics<core_parallel>, #tpu.dimension_semantics<subcore_parallel>], iteration_bounds = array<i64: 2, 16>, scalar_prefetch = 0 : i64, scratch_operands = 5 : i64, tpu.core_type = #tpu.core_type<sc_vector_subcore>, window_params = [{transform_indices = #map}, {transform_indices = #map}, {transform_indices = #map1}, {transform_indices = #map2}]} {
    %mul3A = arith.constant 2 : i32
    %mul3A_0 = arith.muli %arg1, %mul3A : i32
    %add3A = arith.addi %mul3A_0, %arg0 : i32
    %scan3A = arith.constant 0 : i32
    %scan3A_1 = arith.constant 0 : i32
    %scan3A_2 = arith.constant 128 : i32
    %scan3A_3 = arith.addi %scan3A_1, %scan3A_2 : i32
    %scan3A_4 = arith.constant 1 : i32
    %scan3A_5 = scf.for %scan3A_26 = %scan3A_1 to %scan3A_3 step %scan3A_4 iter_args(%scan3A_27 = %scan3A) -> (i32)  : i32 {
      %scan3A_28 = arith.constant 0 : i32
      %scan3A_29 = arith.constant 0 : i32
      %broadcast_in_dim3A = arith.constant 0.000000e+00 : f32
      %broadcast_in_dim3A_30 = vector.broadcast %broadcast_in_dim3A : f32 to vector<16xf32>
      %mul3A_31 = arith.constant 16 : i32
      %mul3A_32 = arith.muli %scan3A_29, %mul3A_31 : i32
      %multiple_of3A_33 = tpu.assume_multiple %mul3A_32, 16 : i32
      %swap3A = arith.index_cast %scan3A_26 : i32 to index
      %swap3A_34 = arith.index_cast %multiple_of3A_33 : i32 to index
      %swap3A_35 = tpu.vector_load %arg8[%swap3A, %swap3A_34] {strides = array<i32>} : memref<128x16xf32, #tpu.memory_space<vmem>>, vector<1x16xf32>,
      %swap3A_36 = vector.shape_cast %swap3A_35 : vector<1x16xf32> to vector<16xf32>
      %swap3A_37 = vector.shape_cast %broadcast_in_dim3A_30 : vector<16xf32> to vector<1x16xf32>
      tpu.vector_store %arg8[%swap3A, %swap3A_34], %swap3A_37 {strides = array<i32>} : memref<128x16xf32, #tpu.memory_space<vmem>>, vector<1x16xf32>,
      %scan3A_38 = arith.constant 0 : i32
      %scan3A_39 = arith.constant 1 : i32
      scf.yield %scan3A_38 : i32
    }
    %scan3A_6 = arith.constant 128 : i32
    %scan3A_7 = arith.constant 0 : i32
    %scan3A_8 = arith.constant 0 : i32
    %scan3A_9 = arith.constant 5 : i32
    %scan3A_10 = arith.addi %scan3A_8, %scan3A_9 : i32
    %scan3A_11 = arith.constant 1 : i32
    %scan3A_12 = scf.for %scan3A_26 = %scan3A_8 to %scan3A_10 step %scan3A_11 iter_args(%scan3A_27 = %scan3A_7) -> (i32)  : i32 {
      %mul3A_28 = arith.constant 640 : i32
      %mul3A_29 = arith.muli %arg1, %mul3A_28 : i32
      %mul3A_30 = arith.constant 128 : i32
      %mul3A_31 = arith.muli %scan3A_26, %mul3A_30 : i32
      %add3A_32 = arith.addi %mul3A_29, %mul3A_31 : i32
      %multiple_of3A_33 = tpu.assume_multiple %add3A_32, 128 : i32
      "tpu.region"() ({
        %run_scoped3A = tpu.sem_alloc : memref<!tpu.dma_semaphore, #tpu.memory_space<semaphore_mem>>
        %dma_start3A = arith.constant 0 : i32
        %dma_start3A_35 = tpu.memref_slice %arg9[%multiple_of3A_33, %dma_start3A] : memref<10240x16xf32, #tpu.memory_space<vmem_shared>> -> memref<128x16xf32, #tpu.memory_space<vmem_shared>>
        %dma_start3A_36 = arith.constant 0 : i32
        %dma_start3A_37 = tpu.memref_slice %arg9[%multiple_of3A_33, %dma_start3A_36] : memref<10240x16xf32, #tpu.memory_space<vmem_shared>> -> memref<128x16xf32, #tpu.memory_space<vmem_shared>>
        tpu.enqueue_dma source(%arg8 : memref<128x16xf32, #tpu.memory_space<vmem>>) target(%dma_start3A_37 : memref<128x16xf32, #tpu.memory_space<vmem_shared>>) target_semaphore(%run_scoped3A : memref<!tpu.dma_semaphore, #tpu.memory_space<semaphore_mem>>)
        %dma_wait3A = arith.constant 0 : i32
        %dma_wait3A_38 = tpu.memref_slice %arg9[%multiple_of3A_33, %dma_wait3A] : memref<10240x16xf32, #tpu.memory_space<vmem_shared>> -> memref<128x16xf32, #tpu.memory_space<vmem_shared>>
        %dma_wait3A_39 = arith.constant 0 : i32
        %dma_wait3A_40 = tpu.memref_slice %arg9[%multiple_of3A_33, %dma_wait3A_39] : memref<10240x16xf32, #tpu.memory_space<vmem_shared>> -> memref<128x16xf32, #tpu.memory_space<vmem_shared>>
        tpu.wait_dma2 semaphore(%run_scoped3A : memref<!tpu.dma_semaphore, #tpu.memory_space<semaphore_mem>>) src(%arg8 : memref<128x16xf32, #tpu.memory_space<vmem>>) dst(%dma_wait3A_40 : memref<128x16xf32, #tpu.memory_space<vmem_shared>>)
        tpu.yield
      }) : () -> ()
      %scan3A_34 = arith.constant 0 : i32
      scf.yield %scan3A_34 : i32
    }
    %scan3A_13 = arith.constant 5 : i32
    %barrier3A = arith.constant 0 : index
    tpu.barrier barrier_id(%barrier3A)
    %mul3A_14 = arith.constant 10112 : i32
    %mul3A_15 = arith.muli %add3A, %mul3A_14 : i32
    %scan3A_16 = arith.constant 0 : i32
    %scan3A_17 = arith.constant 0 : i32
    %scan3A_18 = arith.constant 79 : i32
    %scan3A_19 = arith.addi %scan3A_17, %scan3A_18 : i32
    %scan3A_20 = arith.constant 1 : i32
    %scan3A_21 = scf.for %scan3A_26 = %scan3A_17 to %scan3A_19 step %scan3A_20 iter_args(%scan3A_27 = %scan3A_16) -> (i32)  : i32 {
      %mul3A_28 = arith.constant 128 : i32
      %mul3A_29 = arith.muli %scan3A_26, %mul3A_28 : i32
      %add3A_30 = arith.addi %mul3A_15, %mul3A_29 : i32
      %multiple_of3A_31 = tpu.assume_multiple %add3A_30, 8 : i32
      "tpu.region"() ({
        %run_scoped3A = tpu.sem_alloc : memref<!tpu.dma_semaphore, #tpu.memory_space<semaphore_mem>>
        %dma_start3A_37 = tpu.memref_slice %arg3[%multiple_of3A_31] : memref<323584xi32, #tpu.memory_space<hbm>> -> memref<128xi32, #tpu.memory_space<hbm>>
        %dma_start3A_38 = tpu.memref_slice %arg3[%multiple_of3A_31] : memref<323584xi32, #tpu.memory_space<hbm>> -> memref<128xi32, #tpu.memory_space<hbm>>
        tpu.enqueue_dma source(%dma_start3A_38 : memref<128xi32, #tpu.memory_space<hbm>>) target(%arg7 : memref<128xi32, #tpu.memory_space<vmem>>) target_semaphore(%run_scoped3A : memref<!tpu.dma_semaphore, #tpu.memory_space<semaphore_mem>>)
        %dma_wait3A_39 = tpu.memref_slice %arg3[%multiple_of3A_31] : memref<323584xi32, #tpu.memory_space<hbm>> -> memref<128xi32, #tpu.memory_space<hbm>>
        %dma_wait3A_40 = tpu.memref_slice %arg3[%multiple_of3A_31] : memref<323584xi32, #tpu.memory_space<hbm>> -> memref<128xi32, #tpu.memory_space<hbm>>
        tpu.wait_dma2 semaphore(%run_scoped3A : memref<!tpu.dma_semaphore, #tpu.memory_space<semaphore_mem>>) src(%dma_wait3A_40 : memref<128xi32, #tpu.memory_space<hbm>>) dst(%arg7 : memref<128xi32, #tpu.memory_space<vmem>>)
        tpu.yield
      }) : () -> ()
      "tpu.region"() ({
        %run_scoped3A = tpu.sem_alloc : memref<!tpu.dma_semaphore, #tpu.memory_space<semaphore_mem>>
        %dma_start3A_37 = tpu.memref_slice %arg2[%multiple_of3A_31] : memref<323584xi32, #tpu.memory_space<hbm>> -> memref<128xi32, #tpu.memory_space<hbm>>
        %dma_start3A_38 = tpu.memref_slice %arg2[%multiple_of3A_31] : memref<323584xi32, #tpu.memory_space<hbm>> -> memref<128xi32, #tpu.memory_space<hbm>>
        tpu.enqueue_dma source(%dma_start3A_38 : memref<128xi32, #tpu.memory_space<hbm>>) target(%arg6 : memref<128xi32, #tpu.memory_space<vmem>>) target_semaphore(%run_scoped3A : memref<!tpu.dma_semaphore, #tpu.memory_space<semaphore_mem>>)
        %dma_wait3A_39 = tpu.memref_slice %arg2[%multiple_of3A_31] : memref<323584xi32, #tpu.memory_space<hbm>> -> memref<128xi32, #tpu.memory_space<hbm>>
        %dma_wait3A_40 = tpu.memref_slice %arg2[%multiple_of3A_31] : memref<323584xi32, #tpu.memory_space<hbm>> -> memref<128xi32, #tpu.memory_space<hbm>>
        tpu.wait_dma2 semaphore(%run_scoped3A : memref<!tpu.dma_semaphore, #tpu.memory_space<semaphore_mem>>) src(%dma_wait3A_40 : memref<128xi32, #tpu.memory_space<hbm>>) dst(%arg6 : memref<128xi32, #tpu.memory_space<vmem>>)
        tpu.yield
      }) : () -> ()
      %dma_start3A = arith.constant 0 : i32
      %dma_start3A_32 = arith.constant 0 : i32
      %dma_start3A_33 = tpu.memref_slice %arg4[%dma_start3A, %dma_start3A_32] : memref<10240x16xf32, #tpu.memory_space<hbm>> -> memref<10240x16xf32, #tpu.memory_space<hbm>>
      tpu.enqueue_indirect_dma source(%dma_start3A_33 : memref<10240x16xf32, #tpu.memory_space<hbm>>) target(%arg8 : memref<128x16xf32, #tpu.memory_space<vmem>>) offsets(%arg6 : memref<128xi32, #tpu.memory_space<vmem>>) semaphore(%arg10 : memref<!tpu.dma_semaphore, #tpu.memory_space<semaphore_mem>>)
      %dma_wait3A = arith.constant 0 : i32
      %dma_wait3A_34 = arith.constant 0 : i32
      %dma_wait3A_35 = tpu.memref_slice %arg4[%dma_wait3A, %dma_wait3A_34] : memref<10240x16xf32, #tpu.memory_space<hbm>> -> memref<10240x16xf32, #tpu.memory_space<hbm>>
      tpu.wait_indirect_dma semaphore(%arg10 : memref<!tpu.dma_semaphore, #tpu.memory_space<semaphore_mem>>) src(%dma_wait3A_35 : memref<10240x16xf32, #tpu.memory_space<hbm>>) dst(%arg8 : memref<128x16xf32, #tpu.memory_space<vmem>>)
      "tpu.region"() ({
        %run_scoped3A = tpu.sem_alloc : memref<!tpu.dma_semaphore, #tpu.memory_space<semaphore_mem>>
        %dma_start3A_37 = arith.constant 0 : i32
        %dma_start3A_38 = arith.constant 0 : i32
        %dma_start3A_39 = tpu.memref_slice %arg9[%dma_start3A_37, %dma_start3A_38] : memref<10240x16xf32, #tpu.memory_space<vmem_shared>> -> memref<10240x16xf32, #tpu.memory_space<vmem_shared>>
        tpu.enqueue_indirect_dma source(%arg8 : memref<128x16xf32, #tpu.memory_space<vmem>>) target(%dma_start3A_39 : memref<10240x16xf32, #tpu.memory_space<vmem_shared>>) offsets(%arg7 : memref<128xi32, #tpu.memory_space<vmem>>) semaphore(%run_scoped3A : memref<!tpu.dma_semaphore, #tpu.memory_space<semaphore_mem>>) {add = true}
        %dma_wait3A_40 = arith.constant 0 : i32
        %dma_wait3A_41 = arith.constant 0 : i32
        %dma_wait3A_42 = tpu.memref_slice %arg9[%dma_wait3A_40, %dma_wait3A_41] : memref<10240x16xf32, #tpu.memory_space<vmem_shared>> -> memref<10240x16xf32, #tpu.memory_space<vmem_shared>>
        tpu.wait_indirect_dma semaphore(%run_scoped3A : memref<!tpu.dma_semaphore, #tpu.memory_space<semaphore_mem>>) src(%arg8 : memref<128x16xf32, #tpu.memory_space<vmem>>) dst(%dma_wait3A_42 : memref<10240x16xf32, #tpu.memory_space<vmem_shared>>)
        tpu.yield
      }) : () -> ()
      %scan3A_36 = arith.constant 0 : i32
      scf.yield %scan3A_36 : i32
    }
    %scan3A_22 = arith.constant 79 : i32
    %barrier3A_23 = arith.constant 0 : index
    tpu.barrier barrier_id(%barrier3A_23)
    %mul3A_24 = arith.constant 640 : i32
    %mul3A_25 = arith.muli %arg1, %mul3A_24 : i32
    %multiple_of3A = tpu.assume_multiple %mul3A_25, 8 : i32
    "tpu.region"() ({
      %run_scoped3A = tpu.sem_alloc : memref<!tpu.dma_semaphore, #tpu.memory_space<semaphore_mem>>
      %dma_start3A = arith.constant 0 : i32
      %dma_start3A_26 = tpu.memref_slice %arg5[%arg0, %multiple_of3A, %dma_start3A] : memref<2x10240x16xf32, #tpu.memory_space<hbm>> -> memref<1x640x16xf32, #tpu.memory_space<hbm>>
      %dma_start3A_27 = tpu.memref_squeeze %dma_start3A_26 : memref<1x640x16xf32, #tpu.memory_space<hbm>> -> memref<640x16xf32, #tpu.memory_space<hbm>>
      %dma_start3A_28 = arith.constant 0 : i32
      %dma_start3A_29 = tpu.memref_slice %arg9[%multiple_of3A, %dma_start3A_28] : memref<10240x16xf32, #tpu.memory_space<vmem_shared>> -> memref<640x16xf32, #tpu.memory_space<vmem_shared>>
      tpu.enqueue_dma source(%dma_start3A_29 : memref<640x16xf32, #tpu.memory_space<vmem_shared>>) target(%dma_start3A_27 : memref<640x16xf32, #tpu.memory_space<hbm>>) target_semaphore(%run_scoped3A : memref<!tpu.dma_semaphore, #tpu.memory_space<semaphore_mem>>)
      %dma_wait3A = arith.constant 0 : i32
      %dma_wait3A_30 = tpu.memref_slice %arg5[%arg0, %multiple_of3A, %dma_wait3A] : memref<2x10240x16xf32, #tpu.memory_space<hbm>> -> memref<1x640x16xf32, #tpu.memory_space<hbm>>
      %dma_wait3A_31 = tpu.memref_squeeze %dma_wait3A_30 : memref<1x640x16xf32, #tpu.memory_space<hbm>> -> memref<640x16xf32, #tpu.memory_space<hbm>>
      %dma_wait3A_32 = arith.constant 0 : i32
      %dma_wait3A_33 = tpu.memref_slice %arg9[%multiple_of3A, %dma_wait3A_32] : memref<10240x16xf32, #tpu.memory_space<vmem_shared>> -> memref<640x16xf32, #tpu.memory_space<vmem_shared>>
      tpu.wait_dma2 semaphore(%run_scoped3A : memref<!tpu.dma_semaphore, #tpu.memory_space<semaphore_mem>>) src(%dma_wait3A_33 : memref<640x16xf32, #tpu.memory_space<vmem_shared>>) dst(%dma_wait3A_31 : memref<640x16xf32, #tpu.memory_space<hbm>>)
      tpu.yield
    }) : () -> ()
    return
  }
}

module attributes {stable_mosaic.version = 14 : i64} {
  func.func @body(%arg0: i32, %arg1: memref<2048x128xf32, #tpu.memory_space<vmem>>, %arg2: memref<128x128xf32, #tpu.memory_space<vmem>>, %arg3: memref<2048x16xf32, #tpu.memory_space<vmem>>, %arg4: memref<2048x16xf32, #tpu.memory_space<vmem>>, %arg5: memref<2048x128xf32, #tpu.memory_space<vmem>>) attributes {dimension_semantics = [#tpu.dimension_semantics<arbitrary>], iteration_bounds = array<i64: 5>, scalar_prefetch = 0 : i64, scratch_operands = 0 : i64, tpu.core_type = #tpu.core_type<tc>, window_params = [{transform_indices = @transform_0, window_bounds = array<i64: 2048, 128>}, {pipeline_mode = #tpu.pipeline_mode<synchronous>, transform_indices = @transform_1, window_bounds = array<i64: 128, 128>}, {transform_indices = @transform_2, window_bounds = array<i64: 2048, 16>}, {transform_indices = @transform_3, window_bounds = array<i64: 2048, 16>}, {transform_indices = @transform_4, window_bounds = array<i64: 2048, 128>}]} {
    %get3A = arith.constant 0 : index
    %get3A_0 = arith.constant 0 : index
    %get3A_1 = vector.load %arg3[%get3A, %get3A_0] : memref<2048x16xf32, #tpu.memory_space<vmem>>, vector<2048x1xf32>
    %add3A = arith.constant 1.000000e+00 : f32
    %add3A_2 = vector.broadcast %add3A : f32 to vector<2048x1xf32>
    %add3A_3 = arith.addf %add3A_2, %get3A_1 : vector<2048x1xf32>
    %get3A_4 = arith.constant 0 : index
    %get3A_5 = arith.constant 0 : index
    %get3A_6 = vector.load %arg4[%get3A_4, %get3A_5] : memref<2048x16xf32, #tpu.memory_space<vmem>>, vector<2048x1xf32>
    %add3A_7 = arith.addf %add3A_3, %get3A_6 : vector<2048x1xf32>
    %rsqrt3A = math.rsqrt %add3A_7 : vector<2048x1xf32>
    %get3A_8 = arith.constant 0 : index
    %get3A_9 = arith.constant 0 : index
    %get3A_10 = vector.load %arg1[%get3A_8, %get3A_9] : memref<2048x128xf32, #tpu.memory_space<vmem>>, vector<2048x128xf32>
    %get3A_11 = arith.constant 0 : index
    %get3A_12 = arith.constant 0 : index
    %get3A_13 = vector.load %arg2[%get3A_11, %get3A_12] : memref<128x128xf32, #tpu.memory_space<vmem>>, vector<128x128xf32>
    %dot_general3A = arith.constant dense<0.000000e+00> : vector<2048x128xf32>
    %dot_general3A_14 = tpu.matmul %get3A_10, %get3A_13, %dot_general3A {dimension_numbers = #tpu.dot_dimension_numbers<[1], [0], [0], [1], [0, 0, 1, 1], [], []>, transpose_lhs_hint = false} : vector<2048x128xf32>, vector<128x128xf32>, vector<2048x128xf32> -> vector<2048x128xf32>
    %mul3A = vector.broadcast %rsqrt3A : vector<2048x1xf32> to vector<2048x128xf32>
    %mul3A_15 = arith.mulf %dot_general3A_14, %mul3A : vector<2048x128xf32>
    %swap3A = arith.constant 0 : index
    %swap3A_16 = arith.constant 0 : index
    %swap3A_17 = vector.load %arg5[%swap3A, %swap3A_16] : memref<2048x128xf32, #tpu.memory_space<vmem>>, vector<2048x128xf32>
    tpu.vector_store %arg5[%swap3A, %swap3A_16], %mul3A_15 {strides = array<i32>} : memref<2048x128xf32, #tpu.memory_space<vmem>>, vector<2048x128xf32>,
    return
  }
  func.func @transform_0(%arg0: i32) -> (i32, i32) {
    %c0_i32 = arith.constant 0 : i32
    %c0_i32_0 = arith.constant 0 : i32
    return %arg0, %c0_i32 : i32, i32
  }
  func.func @transform_1(%arg0: i32) -> (i32, i32) {
    %c0_i32 = arith.constant 0 : i32
    %c0_i32_0 = arith.constant 0 : i32
    %c0_i32_1 = arith.constant 0 : i32
    return %c0_i32, %c0_i32_0 : i32, i32
  }
  func.func @transform_2(%arg0: i32) -> (i32, i32) {
    %c0_i32 = arith.constant 0 : i32
    %c0_i32_0 = arith.constant 0 : i32
    return %arg0, %c0_i32 : i32, i32
  }
  func.func @transform_3(%arg0: i32) -> (i32, i32) {
    %c0_i32 = arith.constant 0 : i32
    %c0_i32_0 = arith.constant 0 : i32
    return %arg0, %c0_i32 : i32, i32
  }
  func.func @transform_4(%arg0: i32) -> (i32, i32) {
    %c0_i32 = arith.constant 0 : i32
    %c0_i32_0 = arith.constant 0 : i32
    return %arg0, %c0_i32 : i32, i32
  }
}

module attributes {stable_mosaic.version = 14 : i64} {
  func.func @body(%arg0: i32, %arg1: memref<2048x128xf32, #tpu.memory_space<vmem>>, %arg2: memref<2048x128xf32, #tpu.memory_space<vmem>>, %arg3: memref<2048x128xf32, #tpu.memory_space<vmem>>, %arg4: memref<2048x16xf32, #tpu.memory_space<vmem>>, %arg5: memref<2048x16xf32, #tpu.memory_space<vmem>>, %arg6: memref<1x128xf32, #tpu.memory_space<vmem>>, %arg7: memref<128x16xf32, #tpu.memory_space<vmem>>, %arg8: memref<2048x16xf32, #tpu.memory_space<vmem>>) attributes {dimension_semantics = [#tpu.dimension_semantics<arbitrary>], iteration_bounds = array<i64: 5>, scalar_prefetch = 0 : i64, scratch_operands = 0 : i64, tpu.core_type = #tpu.core_type<tc>, window_params = [{transform_indices = @transform_0, window_bounds = array<i64: 2048, 128>}, {transform_indices = @transform_1, window_bounds = array<i64: 2048, 128>}, {transform_indices = @transform_2, window_bounds = array<i64: 2048, 128>}, {transform_indices = @transform_3, window_bounds = array<i64: 2048, 16>}, {transform_indices = @transform_4, window_bounds = array<i64: 2048, 16>}, {pipeline_mode = #tpu.pipeline_mode<synchronous>, transform_indices = @transform_5, window_bounds = array<i64: 1, 128>}, {pipeline_mode = #tpu.pipeline_mode<synchronous>, transform_indices = @transform_6, window_bounds = array<i64: 128, 16>}, {transform_indices = @transform_7, window_bounds = array<i64: 2048, 16>}]} {
    %get3A = arith.constant 0 : index
    %get3A_0 = arith.constant 0 : index
    %get3A_1 = vector.load %arg4[%get3A, %get3A_0] : memref<2048x16xf32, #tpu.memory_space<vmem>>, vector<2048x1xf32>
    %add3A = arith.constant 1.000000e+00 : f32
    %add3A_2 = vector.broadcast %add3A : f32 to vector<2048x1xf32>
    %add3A_3 = arith.addf %add3A_2, %get3A_1 : vector<2048x1xf32>
    %get3A_4 = arith.constant 0 : index
    %get3A_5 = arith.constant 0 : index
    %get3A_6 = vector.load %arg5[%get3A_4, %get3A_5] : memref<2048x16xf32, #tpu.memory_space<vmem>>, vector<2048x1xf32>
    %add3A_7 = arith.addf %add3A_3, %get3A_6 : vector<2048x1xf32>
    %rsqrt3A = math.rsqrt %add3A_7 : vector<2048x1xf32>
    %get3A_8 = arith.constant 0 : index
    %get3A_9 = arith.constant 0 : index
    %get3A_10 = vector.load %arg1[%get3A_8, %get3A_9] : memref<2048x128xf32, #tpu.memory_space<vmem>>, vector<2048x128xf32>
    %get3A_11 = arith.constant 0 : index
    %get3A_12 = arith.constant 0 : index
    %get3A_13 = vector.load %arg2[%get3A_11, %get3A_12] : memref<2048x128xf32, #tpu.memory_space<vmem>>, vector<2048x128xf32>
    %add3A_14 = arith.addf %get3A_10, %get3A_13 : vector<2048x128xf32>
    %get3A_15 = arith.constant 0 : index
    %get3A_16 = arith.constant 0 : index
    %get3A_17 = vector.load %arg3[%get3A_15, %get3A_16] : memref<2048x128xf32, #tpu.memory_space<vmem>>, vector<2048x128xf32>
    %add3A_18 = arith.addf %add3A_14, %get3A_17 : vector<2048x128xf32>
    %mul3A = vector.broadcast %rsqrt3A : vector<2048x1xf32> to vector<2048x128xf32>
    %mul3A_19 = arith.mulf %mul3A, %add3A_18 : vector<2048x128xf32>
    %get3A_20 = arith.constant 0 : index
    %get3A_21 = arith.constant 0 : index
    %get3A_22 = vector.load %arg6[%get3A_20, %get3A_21] : memref<1x128xf32, #tpu.memory_space<vmem>>, vector<1x128xf32>
    %add3A_23 = vector.broadcast %get3A_22 : vector<1x128xf32> to vector<2048x128xf32>
    %add3A_24 = arith.addf %mul3A_19, %add3A_23 : vector<2048x128xf32>
    %max3A = arith.constant 0.000000e+00 : f32
    %max3A_25 = vector.broadcast %max3A : f32 to vector<2048x128xf32>
    %max3A_26 = arith.maximumf %add3A_24, %max3A_25 : vector<2048x128xf32>
    %get3A_27 = arith.constant 0 : index
    %get3A_28 = arith.constant 0 : index
    %get3A_29 = vector.load %arg7[%get3A_27, %get3A_28] : memref<128x16xf32, #tpu.memory_space<vmem>>, vector<128x16xf32>
    %dot_general3A = arith.constant dense<0.000000e+00> : vector<2048x16xf32>
    %dot_general3A_30 = tpu.matmul %max3A_26, %get3A_29, %dot_general3A {dimension_numbers = #tpu.dot_dimension_numbers<[1], [0], [0], [1], [0, 0, 1, 1], [], []>, transpose_lhs_hint = false} : vector<2048x128xf32>, vector<128x16xf32>, vector<2048x16xf32> -> vector<2048x16xf32>
    %mul3A_31 = vector.broadcast %rsqrt3A : vector<2048x1xf32> to vector<2048x16xf32>
    %mul3A_32 = arith.mulf %dot_general3A_30, %mul3A_31 : vector<2048x16xf32>
    %swap3A = arith.constant 0 : index
    %swap3A_33 = arith.constant 0 : index
    %swap3A_34 = vector.load %arg8[%swap3A, %swap3A_33] : memref<2048x16xf32, #tpu.memory_space<vmem>>, vector<2048x16xf32>
    tpu.vector_store %arg8[%swap3A, %swap3A_33], %mul3A_32 {strides = array<i32>} : memref<2048x16xf32, #tpu.memory_space<vmem>>, vector<2048x16xf32>,
    return
  }
  func.func @transform_0(%arg0: i32) -> (i32, i32) {
    %c0_i32 = arith.constant 0 : i32
    %c0_i32_0 = arith.constant 0 : i32
    return %arg0, %c0_i32 : i32, i32
  }
  func.func @transform_1(%arg0: i32) -> (i32, i32) {
    %c0_i32 = arith.constant 0 : i32
    %c0_i32_0 = arith.constant 0 : i32
    return %arg0, %c0_i32 : i32, i32
  }
  func.func @transform_2(%arg0: i32) -> (i32, i32) {
    %c0_i32 = arith.constant 0 : i32
    %c0_i32_0 = arith.constant 0 : i32
    return %arg0, %c0_i32 : i32, i32
  }
  func.func @transform_3(%arg0: i32) -> (i32, i32) {
    %c0_i32 = arith.constant 0 : i32
    %c0_i32_0 = arith.constant 0 : i32
    return %arg0, %c0_i32 : i32, i32
  }
  func.func @transform_4(%arg0: i32) -> (i32, i32) {
    %c0_i32 = arith.constant 0 : i32
    %c0_i32_0 = arith.constant 0 : i32
    return %arg0, %c0_i32 : i32, i32
  }
  func.func @transform_5(%arg0: i32) -> (i32, i32) {
    %c0_i32 = arith.constant 0 : i32
    %c0_i32_0 = arith.constant 0 : i32
    %c0_i32_1 = arith.constant 0 : i32
    return %c0_i32, %c0_i32_0 : i32, i32
  }
  func.func @transform_6(%arg0: i32) -> (i32, i32) {
    %c0_i32 = arith.constant 0 : i32
    %c0_i32_0 = arith.constant 0 : i32
    %c0_i32_1 = arith.constant 0 : i32
    return %c0_i32, %c0_i32_0 : i32, i32
  }
  func.func @transform_7(%arg0: i32) -> (i32, i32) {
    %c0_i32 = arith.constant 0 : i32
    %c0_i32_0 = arith.constant 0 : i32
    return %arg0, %c0_i32 : i32, i32
  }
}

module attributes {stable_mosaic.version = 14 : i64} {
  func.func @body(%arg0: i32, %arg1: memref<2000x16xf32, #tpu.memory_space<vmem>>, %arg2: memref<2000x16xf32, #tpu.memory_space<vmem>>, %arg3: memref<2000x16xf32, #tpu.memory_space<vmem>>, %arg4: memref<2000x16xf32, #tpu.memory_space<vmem>>, %arg5: memref<2000x16xf32, #tpu.memory_space<vmem>>, %arg6: memref<1x16xf32, #tpu.memory_space<vmem>>, %arg7: memref<2000x2xf32, #tpu.memory_space<vmem>>) attributes {dimension_semantics = [#tpu.dimension_semantics<arbitrary>], iteration_bounds = array<i64: 5>, scalar_prefetch = 0 : i64, scratch_operands = 0 : i64, tpu.core_type = #tpu.core_type<tc>, window_params = [{transform_indices = @transform_0, window_bounds = array<i64: 2000, 16>}, {transform_indices = @transform_1, window_bounds = array<i64: 2000, 16>}, {transform_indices = @transform_2, window_bounds = array<i64: 2000, 16>}, {transform_indices = @transform_3, window_bounds = array<i64: 2000, 16>}, {transform_indices = @transform_4, window_bounds = array<i64: 2000, 16>}, {pipeline_mode = #tpu.pipeline_mode<synchronous>, transform_indices = @transform_5, window_bounds = array<i64: 1, 16>}, {transform_indices = @transform_6, window_bounds = array<i64: 2000, 2>}]} {
    %get3A = arith.constant 0 : index
    %get3A_0 = arith.constant 0 : index
    %get3A_1 = vector.load %arg4[%get3A, %get3A_0] : memref<2000x16xf32, #tpu.memory_space<vmem>>, vector<2000x1xf32>
    %add3A = arith.constant 1.000000e+00 : f32
    %add3A_2 = vector.broadcast %add3A : f32 to vector<2000x1xf32>
    %add3A_3 = arith.addf %add3A_2, %get3A_1 : vector<2000x1xf32>
    %get3A_4 = arith.constant 0 : index
    %get3A_5 = arith.constant 0 : index
    %get3A_6 = vector.load %arg5[%get3A_4, %get3A_5] : memref<2000x16xf32, #tpu.memory_space<vmem>>, vector<2000x1xf32>
    %add3A_7 = arith.addf %add3A_3, %get3A_6 : vector<2000x1xf32>
    %rsqrt3A = math.rsqrt %add3A_7 : vector<2000x1xf32>
    %get3A_8 = arith.constant 0 : index
    %get3A_9 = arith.constant 0 : index
    %get3A_10 = vector.load %arg1[%get3A_8, %get3A_9] : memref<2000x16xf32, #tpu.memory_space<vmem>>, vector<2000x16xf32>
    %get3A_11 = arith.constant 0 : index
    %get3A_12 = arith.constant 0 : index
    %get3A_13 = vector.load %arg2[%get3A_11, %get3A_12] : memref<2000x16xf32, #tpu.memory_space<vmem>>, vector<2000x16xf32>
    %add3A_14 = arith.addf %get3A_10, %get3A_13 : vector<2000x16xf32>
    %get3A_15 = arith.constant 0 : index
    %get3A_16 = arith.constant 0 : index
    %get3A_17 = vector.load %arg3[%get3A_15, %get3A_16] : memref<2000x16xf32, #tpu.memory_space<vmem>>, vector<2000x16xf32>
    %add3A_18 = arith.addf %add3A_14, %get3A_17 : vector<2000x16xf32>
    %mul3A = vector.broadcast %rsqrt3A : vector<2000x1xf32> to vector<2000x16xf32>
    %mul3A_19 = arith.mulf %mul3A, %add3A_18 : vector<2000x16xf32>
    %get3A_20 = arith.constant 0 : index
    %get3A_21 = arith.constant 0 : index
    %get3A_22 = vector.load %arg6[%get3A_20, %get3A_21] : memref<1x16xf32, #tpu.memory_space<vmem>>, vector<1x16xf32>
    %add3A_23 = vector.broadcast %get3A_22 : vector<1x16xf32> to vector<2000x16xf32>
    %add3A_24 = arith.addf %mul3A_19, %add3A_23 : vector<2000x16xf32>
    %slice3A = vector.extract_strided_slice %add3A_24 {offsets = [0, 0], sizes = [2000, 2], strides = [1, 1]} : vector<2000x16xf32> to vector<2000x2xf32>
    %reduce_max3A = arith.constant dense<0xFF800000> : vector<2000xf32>
    %reduce_max3A_25 = vector.multi_reduction <maximumf>, %slice3A, %reduce_max3A [1] : vector<2000x2xf32> to vector<2000xf32>
    %broadcast_in_dim3A = vector.shape_cast %reduce_max3A_25 : vector<2000xf32> to vector<2000x1xf32>
    %sub3A = vector.broadcast %broadcast_in_dim3A : vector<2000x1xf32> to vector<2000x2xf32>
    %sub3A_26 = arith.subf %slice3A, %sub3A : vector<2000x2xf32>
    %exp3A = math.exp %sub3A_26 : vector<2000x2xf32>
    %reduce_sum3A = arith.constant dense<0.000000e+00> : vector<2000xf32>
    %reduce_sum3A_27 = vector.multi_reduction <add>, %exp3A, %reduce_sum3A [1] : vector<2000x2xf32> to vector<2000xf32>
    %broadcast_in_dim3A_28 = vector.shape_cast %reduce_sum3A_27 : vector<2000xf32> to vector<2000x1xf32>
    %div3A = vector.broadcast %broadcast_in_dim3A_28 : vector<2000x1xf32> to vector<2000x2xf32>
    %div3A_29 = arith.divf %exp3A, %div3A : vector<2000x2xf32>
    %swap3A = arith.constant 0 : index
    %swap3A_30 = arith.constant 0 : index
    %swap3A_31 = vector.load %arg7[%swap3A, %swap3A_30] : memref<2000x2xf32, #tpu.memory_space<vmem>>, vector<2000x2xf32>
    tpu.vector_store %arg7[%swap3A, %swap3A_30], %div3A_29 {strides = array<i32>} : memref<2000x2xf32, #tpu.memory_space<vmem>>, vector<2000x2xf32>,
    return
  }
  func.func @transform_0(%arg0: i32) -> (i32, i32) {
    %c0_i32 = arith.constant 0 : i32
    %c0_i32_0 = arith.constant 0 : i32
    return %arg0, %c0_i32 : i32, i32
  }
  func.func @transform_1(%arg0: i32) -> (i32, i32) {
    %c0_i32 = arith.constant 0 : i32
    %c0_i32_0 = arith.constant 0 : i32
    return %arg0, %c0_i32 : i32, i32
  }
  func.func @transform_2(%arg0: i32) -> (i32, i32) {
    %c0_i32 = arith.constant 0 : i32
    %c0_i32_0 = arith.constant 0 : i32
    return %arg0, %c0_i32 : i32, i32
  }
  func.func @transform_3(%arg0: i32) -> (i32, i32) {
    %c0_i32 = arith.constant 0 : i32
    %c0_i32_0 = arith.constant 0 : i32
    return %arg0, %c0_i32 : i32, i32
  }
  func.func @transform_4(%arg0: i32) -> (i32, i32) {
    %c0_i32 = arith.constant 0 : i32
    %c0_i32_0 = arith.constant 0 : i32
    return %arg0, %c0_i32 : i32, i32
  }
  func.func @transform_5(%arg0: i32) -> (i32, i32) {
    %c0_i32 = arith.constant 0 : i32
    %c0_i32_0 = arith.constant 0 : i32
    %c0_i32_1 = arith.constant 0 : i32
    return %c0_i32, %c0_i32_0 : i32, i32
  }
  func.func @transform_6(%arg0: i32) -> (i32, i32) {
    %c0_i32 = arith.constant 0 : i32
    %c0_i32_0 = arith.constant 0 : i32
    return %arg0, %c0_i32 : i32, i32
  }
}

</mosaic_0001>

<sc_bundles>
// kernel: kernel.11.cloned.1.call-start
scs
__scs_entry_jumppad:
0x0: {  	(pc) =	sbr.rel $0x88, $3  }
0x1: {  	(tag) =	ssettag $0x0;
	lr =	simm.s32 $0x1  }
0x2: {  	[smem:$0x3F9B] =	sst lr;
	_ =	strace $0xD0000000  }
0x3: {  	_ = 	snop  }
0x4: {  	_ = 	snop  }
0x5: {  	_ = 	snop  }
0x6: {  	_ = 	snop  }
0x7: {  	_ = 	snop  }
__scs_overlays_trampoline_lowered:
0x8: {  	[smem:$0x3FAA] =	sst s0  }
0x9: {  	[smem:$0x3FAB] =	sst s1  }
0xa: {  	[smem:$0x3FAC] =	sst s2  }
0xb: {  	[smem:$0x3FAD] =	sst s3  }
0xc: {  	[smem:$0x3FAE] =	sst s4  }
0xd: {  	[smem:$0x3FAF] =	sst s5  }
0xe: {  	[smem:$0x3FB0] =	sst s6  }
0xf: {  	[smem:$0x3FB1] =	sst s7  }
0x10: {  	[smem:$0x3FB2] =	sst s8  }
0x11: {  	[smem:$0x3FB3] =	sst s9;
	s0 =	simm.s32 @!p0 $0x0  }
0x12: {  	s1 =	sld [smem:$0x3F99];
	s0 =	simm.s32 @p0 $0x1  }
0x13: {  	[smem:$0x3FB4] =	sst s0;
	s0 =	simm.s32 @!p1 $0x0  }
0x14: {  	s2 =	sld [smem:$0x3F98];
	s0 =	simm.s32 @p1 $0x1  }
0x15: {  	[smem:$0x3FB5] =	sst s0;
	s0 =	simm.s32 @!p2 $0x0  }
0x16: {  	s3 =	sld [smem:$0x3FDB];
	s0 =	simm.s32 @p2 $0x1  }
0x17: {  	s4 =	simm.s32 $0x1BF5;
	[smem:$0x3FB7] =	sst s0  }
0x18: {  	s0 =	sld [smem:$0x3F9A];
	_ =	swait.ge [sflag:s4], $0x0  }
0x19: {  	s7 =	sld [smem:$0x3F9B]  }
0x1a: {  	s8 =	sadd.s32 $0xFFFFE003, lr  }
0x1b: {  	s9 =	sadd.s32 $0xFFFFFEF7, lr;
	s5 =	simm.s32 $0xFFFFFFFF;
	p2 =	slt.u32 s8, $0xFFFFF086  }
0x1c: {  	p1 =	slt.u32 s9, $0xF7A;
	s5 =	simm.s32 @!p2 $0x0  }
0x1d: {  	s5 =	simm.s32 @p1 $0x1;
	p0 =	seq.s32 s7, s2  }
0x1e: {  	s7 =	smul.u32 @!p0 $0xF7A, s2;
	p2 =	seq.s32 @!p0 s5, $0x0  }
0x1f: {  	s9 =	smul.u32 $0xF7A, s1;
	s8 =	simm.s32 @!p0 $0x1BF5;
	p2 =	por !p2, p0  }
0x20: {  	[sflag:s8] =	ssyncset.s32 @!p0 $0xFFFFF086;
	s6 =	sadd.s32 @!p0 s3, s7;
	s7 =	simm.s32 @!p0 $0x108  }
0x21: {  	s3 =	sadd.s32 s3, s9;
	s6 =	sadd.s32 @!p0 $0x88, s6;
	s7 =	simm.s32 @p2 $0x1082  }
0x22: {  	[simem:s7], [sflag:s8] =	dma.local @!p0 [hbm:s6], $0xF7A  }
0x23: {  	s9 =	sor.u32 $0xD0000000, s2;
	s6 =	simm.s32 $0x108;
	_ =	swait.ge @!p0 [sflag:s8], $0x0  }
0x24: {  	s3 =	sadd.s32 $0x88, s3;
	s6 =	simm.s32 @!p1 $0x1082;
	[sflag:s4] =	ssyncset.s32 $0xFFFFF086  }
0x25: {  	[simem:s6], [sflag:s4] =	dma.local [hbm:s3], $0xF7A  }
0x26: {  	[smem:$0x3F9B] =	sst s1;
	(tag) =	ssettag s2;
	_ =	strace s9  }
0x27: {  	s1 =	sld [smem:$0x3FAB]  }
0x28: {  	s2 =	sld [smem:$0x3FAC]  }
0x29: {  	s4 =	sld [smem:$0x3FAE]  }
0x2a: {  	p0 =	seq.s32 s5, $0x0;
	s5 =	sld [smem:$0x3FAF]  }
0x2b: {  	s6 =	sld [smem:$0x3FB0]  }
0x2c: {  	s7 =	sld [smem:$0x3FB1]  }
0x2d: {  	s3 =	simm.s32 $0x108;
	s8 =	sld [smem:$0x3FB2]  }
0x2e: {  	s3 =	simm.s32 @!p0 $0x1082;
	s9 =	sld [smem:$0x3FB3]  }
0x2f: {  	lr =	sadd.s32 s0, s3;
	s0 =	sld [smem:$0x3FAA]  }
0x30: {  	s3 =	sld [smem:$0x3FAD]  }
0x31: {  	[smem:$0x3FB6] =	sst s10  }
0x32: {  	s10 =	sld [smem:$0x3FB4];
	_ =	sdelay $0x3  }
0x33: {  	p0 =	seq.s32 s10, $0x1;
	s10 =	sld [smem:$0x3FB6];
	_ =	sdelay $0x3  }
0x34: {  	[smem:$0x3FB6] =	sst s10  }
0x35: {  	s10 =	sld [smem:$0x3FB5];
	_ =	sdelay $0x3  }
0x36: {  	p1 =	seq.s32 s10, $0x1;
	s10 =	sld [smem:$0x3FB6];
	_ =	sdelay $0x3  }
0x37: {  	[smem:$0x3FB6] =	sst s10  }
0x38: {  	s10 =	sld [smem:$0x3FB7]  }
0x39: {  	_ = 	snop;
	(pc) =	sbr.ind lr, $3  }
0x3a: {  	_ = 	snop  }
0x3b: {  	_ = 	snop  }
0x3c: {  	p2 =	seq.s32 s10, $0x1;
	s10 =	sld [smem:$0x3FB6]  }
0x3d: {  	_ =	shalt  }
0x3e: {  	_ =	shalt  }
0x3f: {  	_ =	shalt  }
0x40: {  	_ =	shalt  }
0x41: {  	_ =	shalt  }
0x42: {  	_ =	shalt  }
0x43: {  	_ =	shalt  }
0x44: {  	_ =	shalt  }
0x45: {  	_ =	shalt  }
0x46: {  	_ =	shalt  }
0x47: {  	_ =	shalt  }
0x48: {  	_ =	shalt  }
0x49: {  	_ =	shalt  }
0x4a: {  	_ =	shalt  }
0x4b: {  	_ =	shalt  }
0x4c: {  	_ =	shalt  }
0x4d: {  	_ =	shalt  }
0x4e: {  	_ =	shalt  }
0x4f: {  	_ =	shalt  }
0x50: {  	_ =	shalt  }
0x51: {  	_ =	shalt  }
0x52: {  	_ =	shalt  }
0x53: {  	_ =	shalt  }
0x54: {  	_ =	shalt  }
0x55: {  	_ =	shalt  }
0x56: {  	_ =	shalt  }
0x57: {  	_ =	shalt  }
0x58: {  	_ =	shalt  }
0x59: {  	_ =	shalt  }
0x5a: {  	_ =	shalt  }
0x5b: {  	_ =	shalt  }
0x5c: {  	_ =	shalt  }
0x5d: {  	_ =	shalt  }
0x5e: {  	_ =	shalt  }
0x5f: {  	_ =	shalt  }
0x60: {  	_ =	shalt  }
0x61: {  	_ =	shalt  }
0x62: {  	_ =	shalt  }
0x63: {  	_ =	shalt  }
0x64: {  	_ =	shalt  }
0x65: {  	_ =	shalt  }
0x66: {  	_ =	shalt  }
0x67: {  	_ =	shalt  }
0x68: {  	_ =	shalt  }
0x69: {  	_ =	shalt  }
0x6a: {  	_ =	shalt  }
0x6b: {  	_ =	shalt  }
0x6c: {  	_ =	shalt  }
0x6d: {  	_ =	shalt  }
0x6e: {  	_ =	shalt  }
0x6f: {  	_ =	shalt  }
0x70: {  	_ =	shalt  }
0x71: {  	_ =	shalt  }
0x72: {  	_ =	shalt  }
0x73: {  	_ =	shalt  }
0x74: {  	_ =	shalt  }
0x75: {  	_ =	shalt  }
0x76: {  	_ =	shalt  }
0x77: {  	_ =	shalt  }
0x78: {  	_ =	shalt  }
0x79: {  	_ =	shalt  }
0x7a: {  	_ =	shalt  }
0x7b: {  	_ =	shalt  }
0x7c: {  	_ =	shalt  }
0x7d: {  	_ =	shalt  }
0x7e: {  	_ =	shalt  }
0x7f: {  	_ =	shalt  }
0x80: {  	_ =	shalt  }
0x81: {  	_ =	shalt  }
0x82: {  	_ =	shalt  }
0x83: {  	_ =	shalt  }
0x84: {  	_ =	shalt  }
0x85: {  	_ =	shalt  }
0x86: {  	_ =	shalt  }
0x87: {  	_ =	shalt  }
.Lfunc_end0:
.L_simem_size_0:
called_computation.1_lowered:
.L_overlay_start_0:
0x88: {  	s2 =	sld [smem:$0x3FD9]  }
0x89: {  	s3 =	sld [smem:$0x3FFE];
	_ =	sdelay $0x1  }
0x8a: {  	s1 =	srdreg.scid  }
0x8b: {  	s0 =	sand.u32 $0x1, s1  }
0x8c: {  	s16 =	sshll.u32 s0, $0xA;
	s2 =	sadd.s32 s3, s2  }
0x8d: {  	s2 =	sadd.s32 s2, s16  }
0x8e: {  	[smem:$0x3FC2] =	sst s2  }
0x8f: {  	_ = 	snop  }
0x90: {  	(tm) =	ssettm $0x1  }
0x91: {  	s17 =	sld [smem:$0x3FFB];
	_ =	sdelay $0x3  }
0x92: {  	_ =	strace s17  }
0x93: {  	s2 =	sld [smem:$0x3FFC];
	_ =	sdelay $0x3  }
0x94: {  	_ =	strace s2  }
0x95: {  	s2 =	sld [smem:$0x3FFD];
	_ =	sdelay $0x3  }
0x96: {  	_ =	strace s2  }
0x97: {  	_ =	strace $0x8FFFFFFF  }
0x98: {  	s18 =	sld [smem:$0x3FDB];
	_ =	sdelay $0x1  }
0x99: {  	s19 =	simm.s32 $_scs_section_size  }
0x9a: {  	s4 =	simm.s32 $_size__tile_overlayer_lowered;
	s5 =	simm.s32 $_tile_overlayer_lowered  }
0x9b: {  	s22 =	simm.s32 $0x1BFF;
	s21 =	sshll.u32 s5, $0x1;
	s2 =	sadd.s32 s19, s18  }
0x9c: {  	s6 =	simm.s32 $0x0;
	s20 =	sshll.u32 s4, $0x1;
	s4 =	sadd.s32 s21, s2  }
0x9d: {  	[timem:s6], [sflag:s22] =	dma.local [hbm:s4], s20  }
0x9e: {  	_ =	swait.ge [sflag:s22], s20  }
0x9f: {  	s3 =	ssub.s32 $0x0, s20;
	[sflag:s22] =	ssyncset.done $0x0  }
0xa0: {  	[sflag:s22] =	ssyncadd.s32 s3;
	_ =	sdelay $0x1  }
0xa1: {  	s23 =	simm.s32 $0x1B8B  }
0xa2: {  	_ =	swait.ge [sflag:s23], $0x1  }
0xa3: {  	[sflag:s23] =	ssyncset.done $0x0  }
0xa4: {  	s25 =	simm.s32 $0x1B8E;
	s24 =	sld [smem:$0x3FFE];
	[sflag:s23] =	ssyncadd.s32 $0xFFFFFFFF  }
0xa5: {  	s26 =	simm.s32 $execute0_lowered;
	[smem:$0x3FD2] =	sst s25  }
0xa6: {  	s4 =	sshll.u32 s26, $0x1;
	_ =	strace $0x80000049;
	[dreg:$0x1] =	wrdreg $0xFFFFFFFF  }
0xa7: {  	s28 =	simm.s32 $_size_execute0_lowered;
	s2 =	sadd.s32 s2, s4;
	[dreg:$0x0] =	wrdreg $0x0  }
0xa8: {  	s4 =	sshll.u32 s28, $0x1;
	[dreg:$0x2] =	wrdreg s2  }
0xa9: {  	[dreg:$0x3] =	wrdreg s4  }
0xaa: {  	[dreg:$0x4] =	wrdreg $0xC0  }
0xab: {  	_ =	task [dreg:s6], $0x5FFFF  }
0xac: {  	[dreg:$0x1] =	wrdreg $0xFFFFFFFF  }
0xad: {  	[dreg:$0x0] =	wrdreg $0x60  }
0xae: {  	[dreg:$0x2] =	wrdreg s24  }
0xaf: {  	[dreg:$0x3] =	wrdreg $0x41000  }
0xb0: {  	[dreg:$0x4] =	wrdreg $0x9  }
0xb1: {  	_ =	task.clear_ibuf [dreg:s6], $0x5FFFF;
	_ =	strace $0x90000049  }
0xb2: {  	s29 =	simm.s32 $0x9;
	_ =	strace $0x8000004B  }
0xb3: {  	_ =	swait.ge [sflag:s29], $0x1  }
0xb4: {  	[sflag:s29] =	ssyncadd.s32 $0xFFFFFFFF  }
0xb5: {  	_ =	strace $0x9000004B  }
0xb6: {  	_ =	sfence  }
0xb7: {  	s30 =	sld [smem:$0x0];
	_ =	sdelay $0x2  }
0xb8: {  	s31 =	sshll.u32 s1, $0xD;
	s1 =	sshrl.u32 s1, $0x2  }
0xb9: {  	s3 =	sand.u32 $0x4000, s31;
	s1 =	sadd.s32 s1, s30  }
0xba: {  	s0 =	sor.u32 s3, s0;
	s1 =	sshll.u32 s1, $0x11  }
0xbb: {  	s0 =	sor.u32 s1, s0  }
0xbc: {  	s0 =	sadd.s32 $0x8F2B, s0  }
0xbd: {  	[sflag:s0] =	ssyncadd.remote.s32 $0x1  }
0xbe: {  	_ =	sfence.sel $0xFFFF  }
0xbf: {  	[dreg:$0x0] =	wrdreg $0xFFFFFFFF;
	(pc) =	sbr.abs _section_cstart, $3  }
0xc0: {  	[dreg:$0x1] =	wrdreg $0xFFFFFFFF  }
0xc1: {  	_ =	task.clear_ibuf [dreg:s6], $0x2FFFF;
	_ =	strace $0x9FFFFFFF  }
0xc2: {  	(tm) =	ssettm $0x7FFFFFFF  }
0xc3: {  	_ =	shalt  }
tec
execute0_lowered:
.L_overlay_start_1:
0x0: {  	(tag) =	ssettag $0x1  }
0x1: {  	s1 =	srdreg.scid;
	s5 =	rddreg [dreg:$0x0]  }
0x2: {  	s0 =	stileid.u32;
	s2 =	rddreg [dreg:$0x1]  }
0x3: {  	s3 =	simm.s32 $0x0;
	s14 =	simm.s32 $0x100;
	s6 =	smul.u32 $0x4F00, s0  }
0x4: {  	s15 =	simm.s32 $0x2;
	s16 =	simm.s32 $0x80;
	s8 =	smul.u32 $0x14000, s0  }
0x5: {  	s17 =	simm.s32 $0x1;
	s4 =	sand.u32 $0x1, s1;
	s9 =	smul.u32 $0x50000, s0  }
0x6: {  	s20 =	simm.s32 $0x0;
	s1 =	rddreg [dreg:$0x2];
	s7 =	smul.u32 $0x2780, s4  }
0x7: {  	[smem:$0x7FF] =	sst s3;
	s18 =	sshll.u32 s0, $0x6;
	s28 =	smul.u32 $0x140000, s4  }
0x8: {  	_ =	strace $0x8000004A;
	s30 =	ssub.s32 $0x2, s4;
	s4 =	sadd.s32 $0x6FE00, s5  }
0x9: {  	s18 =	sor.u32 $0x1C02, s18;
	s10 =	sshrl.u32 s30, $0x1;
	s31 =	sshrl.u32 s9, $0x2  }
0xa: {  	s19 =	sadd.s32 s8, s2;
	s6 =	sadd.s32 s7, s6;
	s29 =	sadd.s32 s8, s28  }
0xb: {  	s7 =	ssub.s32 s30, s10;
	s19 =	sshrl.u32 s19, $0x3;
	s6 =	sshrl.u32 s6, $0x3  }
0xc: {  	s7 =	smax.u32 s7, $0x1;
	s13 =	sadd.s32 s6, s5;
	s6 =	sshrl.u32 s29, $0x3  }
0xd: {  	s6 =	sadd.s32 s6, s5;
	s5 =	sadd.s32 s31, s2;
	s12 =	sadd.s32 $0x16000, s13  }
0xe: {  	s13 =	sadd.s32 $0x2200, s13;
	s6 =	sadd.s32 $0x97E00, s6;
	s8 =	sadd.s32 $0x4000, s5  }
0xf: {  	v0 =	vimm.f32 $0.0e+00;
	s9 =	sadd.s32 $0x8000, s5;
	s10 =	sadd.s32 $0xC000, s5;
	s11 =	sadd.s32 $0x10000, s5  }
.LBB2_1:
0x10: {  	s21 =	simm.s32 $0x0;
	s22 =	simm.s32 $0x200  }
.LBB2_2:
0x11: {  	p0 =	sne.s32 s22, $0xFE00;
	[tilespmem:s21+$0x170] =	vst v0  }
0x12: {  	[tilespmem:s21+$0x100] =	vst v0  }
0x13: {  	[tilespmem:s21+$0x110] =	vst v0  }
.Ltmp0:
0x14: {  	[tilespmem:s21+$0x120] =	vst v0;
	(pc) =	sbr.rel @p0 .LBB2_2-.Ltmp0, $4  }
0x15: {  	[tilespmem:s21+$0x130] =	vst v0  }
0x16: {  	[tilespmem:s21+$0x140] =	vst v0  }
0x17: {  	[tilespmem:s21+$0x150] =	vst v0  }
0x18: {  	[tilespmem:s21+$0x160] =	vst v0;
	s21 =	sshra.s32 s22, $0x2;
	s22 =	sadd.s32 $0x200, s22  }
0x19: {  	[tilespmem:s21+$0x170] =	vst v0  }
0x1a: {  	[tilespmem:s21+$0x100] =	vst v0  }
0x1b: {  	[tilespmem:s21+$0x110] =	vst v0  }
0x1c: {  	[tilespmem:s21+$0x120] =	vst v0  }
0x1d: {  	[tilespmem:s21+$0x130] =	vst v0  }
0x1e: {  	[tilespmem:s21+$0x140] =	vst v0  }
0x1f: {  	[tilespmem:s21+$0x150] =	vst v0  }
0x20: {  	[tilespmem:s21+$0x160] =	vst v0  }
0x21: {  	[spmem:s5] =	stream.linear.scatter [tilespmem:s14], [sflag:$0x2], $0x4000, $0x38;
	[tilespmem:$0x18100] =	vst v63  }
0x22: {  	_ =	swait.ge [sflag:s15], $0x4000  }
0x23: {  	[sflag:s15] =	ssyncset.done $0x0  }
0x24: {  	[sflag:s15] =	ssyncadd.s32 $0xFFFFC000  }
0x25: {  	[spmem:s8] =	stream.linear.scatter [tilespmem:s14], [sflag:$0x2], $0x4000, $0x38;
	[tilespmem:$0x18100] =	vst v63  }
0x26: {  	_ =	swait.ge [sflag:s15], $0x4000  }
0x27: {  	[sflag:s15] =	ssyncset.done $0x0  }
0x28: {  	[sflag:s15] =	ssyncadd.s32 $0xFFFFC000  }
0x29: {  	[spmem:s9] =	stream.linear.scatter [tilespmem:s14], [sflag:$0x2], $0x4000, $0x38;
	[tilespmem:$0x18100] =	vst v63  }
0x2a: {  	_ =	swait.ge [sflag:s15], $0x4000  }
0x2b: {  	[sflag:s15] =	ssyncset.done $0x0  }
0x2c: {  	[sflag:s15] =	ssyncadd.s32 $0xFFFFC000  }
0x2d: {  	[spmem:s10] =	stream.linear.scatter [tilespmem:s14], [sflag:$0x2], $0x4000, $0x38;
	[tilespmem:$0x18100] =	vst v63  }
0x2e: {  	_ =	swait.ge [sflag:s15], $0x4000  }
0x2f: {  	[sflag:s15] =	ssyncset.done $0x0  }
0x30: {  	[sflag:s15] =	ssyncadd.s32 $0xFFFFC000  }
0x31: {  	[spmem:s11] =	stream.linear.scatter [tilespmem:s14], [sflag:$0x2], $0x4000, $0x38;
	[tilespmem:$0x18100] =	vst v63  }
0x32: {  	_ =	swait.ge [sflag:s15], $0x4000  }
0x33: {  	[sflag:s15] =	ssyncset.done $0x0  }
0x34: {  	[sflag:s15] =	ssyncadd.s32 $0xFFFFC000  }
0x35: {  	s30 =	sadd.s32 $0x0, s13;
	[bflag:$0x0] =	sbarrier.arrive $0xFFFF  }
0x36: {  	[tilespmem:s16], [sflag:$0x2] =	stream.linear.gather [hbm4b:s30+s3], $0x80, $0x38;
	[tilespmem:$0x18100] =	vst v63  }
0x37: {  	_ =	swait.ge [sflag:s15], $0x80  }
0x38: {  	[sflag:s15] =	ssyncset.done $0x0  }
0x39: {  	s31 =	sadd.s32 $0x0, s12;
	[sflag:s15] =	ssyncadd.s32 $0xFFFFFF80  }
0x3a: {  	[tilespmem:s3], [sflag:$0x2] =	stream.linear.gather [hbm4b:s31+s3], $0x80, $0x38;
	[tilespmem:$0x18100] =	vst v63  }
0x3b: {  	_ =	swait.ge [sflag:s15], $0x80  }
0x3c: {  	[sflag:s15] =	ssyncset.done $0x0  }
0x3d: {  	[sflag:s15] =	ssyncadd.s32 $0xFFFFFF80  }
0x3e: {  	[tilespmem:s14], [sflag:$0x1] =	stream.indirect.gather [hbm4b:s4+s16], $0x80, s3, s16, $0xb8;
	[tilespmem:$0x18100] =	vst v63  }
0x3f: {  	_ =	swait.ge [sflag:s17], $0x4000  }
0x40: {  	[sflag:s17] =	ssyncset.done $0x0  }
0x41: {  	[sflag:s17] =	ssyncadd.s32 $0xFFFFC000  }
0x42: {  	[spmem:s2] =	stream.indirect.scatter.add.f32 [tilespmem:s14], [sflag:$0x2], $0x80, s16, s16, $0xb8;
	[tilespmem:$0x18100] =	vst v63  }
0x43: {  	_ =	swait.ge [sflag:s15], $0x4000  }
0x44: {  	s21 =	simm.s32 $0x10;
	s22 =	simm.s32 $0x20;
	[sflag:s15] =	ssyncset.done $0x0  }
.LBB2_4:
0x45: {  	s23 =	sadd.s32 s21, s13  }
0x46: {  	[sflag:s15] =	ssyncadd.s32 $0xFFFFC000;
	s24 =	smov.u32 s22;
	s25 =	sadd.s32 $0x10, s22  }
0x47: {  	[tilespmem:s16], [sflag:$0x2] =	stream.linear.gather [hbm4b:s23+s3], $0x80, $0x38;
	[tilespmem:$0x18100] =	vst v63  }
0x48: {  	p0 =	sne.s32 s22, $0x4E0;
	_ =	swait.ge [sflag:s15], $0x80  }
0x49: {  	[sflag:s15] =	ssyncset.done $0x0  }
0x4a: {  	s22 =	sadd.s32 s21, s12;
	s21 =	smov.u32 s24;
	[sflag:s15] =	ssyncadd.s32 $0xFFFFFF80  }
0x4b: {  	[tilespmem:s3], [sflag:$0x2] =	stream.linear.gather [hbm4b:s22+s3], $0x80, $0x38;
	[tilespmem:$0x18100] =	vst v63  }
0x4c: {  	_ =	swait.ge [sflag:s15], $0x80  }
0x4d: {  	[sflag:s15] =	ssyncset.done $0x0  }
0x4e: {  	[sflag:s15] =	ssyncadd.s32 $0xFFFFFF80  }
0x4f: {  	[tilespmem:s14], [sflag:$0x1] =	stream.indirect.gather [hbm4b:s4+s16], $0x80, s3, s16, $0xb8;
	[tilespmem:$0x18100] =	vst v63  }
0x50: {  	_ =	swait.ge [sflag:s17], $0x4000  }
.Ltmp1:
0x51: {  	[sflag:s17] =	ssyncset.done $0x0;
	(pc) =	sbr.rel @p0 .LBB2_4-.Ltmp1, $4  }
0x52: {  	[sflag:s17] =	ssyncadd.s32 $0xFFFFC000  }
0x53: {  	[spmem:s2] =	stream.indirect.scatter.add.f32 [tilespmem:s14], [sflag:$0x2], $0x80, s16, s16, $0xb8;
	[tilespmem:$0x18100] =	vst v63  }
0x54: {  	_ =	swait.ge [sflag:s15], $0x4000  }
0x55: {  	s22 =	smov.u32 s25;
	[sflag:s15] =	ssyncset.done $0x0  }
0x56: {  	s22 =	sadd.s32 s21, s13;
	[sflag:s15] =	ssyncadd.s32 $0xFFFFC000  }
0x57: {  	[tilespmem:s16], [sflag:$0x2] =	stream.linear.gather [hbm4b:s22+s3], $0x80, $0x38;
	[tilespmem:$0x18100] =	vst v63  }
0x58: {  	_ =	swait.ge [sflag:s15], $0x80  }
0x59: {  	[sflag:s15] =	ssyncset.done $0x0  }
0x5a: {  	s31 =	sadd.s32 s21, s12;
	[sflag:s15] =	ssyncadd.s32 $0xFFFFFF80  }
0x5b: {  	[tilespmem:s3], [sflag:$0x2] =	stream.linear.gather [hbm4b:s31+s3], $0x80, $0x38;
	[tilespmem:$0x18100] =	vst v63  }
0x5c: {  	_ =	swait.ge [sflag:s15], $0x80  }
0x5d: {  	[sflag:s15] =	ssyncset.done $0x0  }
0x5e: {  	[sflag:s15] =	ssyncadd.s32 $0xFFFFFF80  }
0x5f: {  	[tilespmem:s14], [sflag:$0x1] =	stream.indirect.gather [hbm4b:s4+s16], $0x80, s3, s16, $0xb8;
	[tilespmem:$0x18100] =	vst v63  }
0x60: {  	_ =	swait.ge [sflag:s17], $0x4000  }
0x61: {  	[sflag:s17] =	ssyncset.done $0x0  }
0x62: {  	[sflag:s17] =	ssyncadd.s32 $0xFFFFC000  }
0x63: {  	[spmem:s2] =	stream.indirect.scatter.add.f32 [tilespmem:s14], [sflag:$0x2], $0x80, s16, s16, $0xb8;
	[tilespmem:$0x18100] =	vst v63  }
0x64: {  	_ =	swait.ge [sflag:s15], $0x4000  }
0x65: {  	s20 =	sadd.s32 $0x1, s20;
	[sflag:s15] =	ssyncset.done $0x0  }
0x66: {  	p0 =	sne.s32 s20, s7;
	[sflag:s15] =	ssyncadd.s32 $0xFFFFC000  }
.Ltmp2:
0x67: {  	[bflag:$0x0] =	sbarrier.arrive $0xFFFF;
	(pc) =	sbr.rel @p0 .LBB2_1-.Ltmp2, $4  }
0x68: {  	[hbm:s6], [sflag:s18] =	dma.local [spmem:s19], $0x2800  }
0x69: {  	_ =	swait.ge [sflag:s15], $0x2800  }
0x6a: {  	[sflag:s15] =	ssyncset.done $0x0  }
0x6b: {  	[sflag:s15] =	ssyncadd.s32 $0xFFFFD800  }
0x6c: {  	_ =	sfence.sel $0x180000  }
0x6d: {  	[bflag:$0x0] =	sbarrier.arrive $0xFFFF  }
0x6e: {  	p0 =	sne.s32 s0, $0x0;
	_ =	strace $0x9000004A  }
0x6f: {  	s0 =	sadd.s32 @!p0 $0x100000, s1;
	[bflag:$0x2] =	sbarrier.arrive $0xFFFF  }
0x70: {  	[sflag:s0] =	ssyncadd.tile.s32 @!p0 $0x1;
	_ =	shalt  }
.Lfunc_end2:
_tile_overlayer_lowered:
.L_overlay_start_2:
0x71: {  	(tag) =	ssettag $0x2  }
0x72: {  	s0 =	rddreg [dreg:$0x0];
	s2 =	stileid.u32  }
0x73: {  	s1 =	rddreg [dreg:$0x1];
	p0 =	sne.s32 s2, $0x0  }
0x74: {  	s3 =	rddreg [dreg:$0x2];
	[bflag:$0x3] =	sbarrier.arrive $0xFFFF;
	s2 =	simm.s32 @!p0 $0x1C02  }
0x75: {  	[timem:s3], [sflag:s2] =	dma.local @!p0 [hbm:s0], s1  }
0x76: {  	s0 =	simm.s32 @!p0 $0x2  }
0x77: {  	_ =	swait.ge @!p0 [sflag:s0], s1  }
0x78: {  	s1 =	ssub.s32 @!p0 $0x0, s1;
	[sflag:s0] =	ssyncset.done @!p0 $0x0  }
0x79: {  	[sflag:s0] =	ssyncadd.s32 @!p0 s1  }
0x7a: {  	[bflag:$0x3] =	sbarrier.arrive $0xFFFF  }
0x7b: {  	_ =	shalt  }

// kernel: kernel.14.cloned.1.call-start
scs
__scs_entry_jumppad:
0x0: {  	(pc) =	sbr.rel $0x88, $3  }
0x1: {  	(tag) =	ssettag $0x0;
	lr =	simm.s32 $0x1  }
0x2: {  	[smem:$0x3F9B] =	sst lr;
	_ =	strace $0xD0000000  }
0x3: {  	_ = 	snop  }
0x4: {  	_ = 	snop  }
0x5: {  	_ = 	snop  }
0x6: {  	_ = 	snop  }
0x7: {  	_ = 	snop  }
__scs_overlays_trampoline_lowered:
0x8: {  	[smem:$0x3FAA] =	sst s0  }
0x9: {  	[smem:$0x3FAB] =	sst s1  }
0xa: {  	[smem:$0x3FAC] =	sst s2  }
0xb: {  	[smem:$0x3FAD] =	sst s3  }
0xc: {  	[smem:$0x3FAE] =	sst s4  }
0xd: {  	[smem:$0x3FAF] =	sst s5  }
0xe: {  	[smem:$0x3FB0] =	sst s6  }
0xf: {  	[smem:$0x3FB1] =	sst s7  }
0x10: {  	[smem:$0x3FB2] =	sst s8  }
0x11: {  	[smem:$0x3FB3] =	sst s9;
	s0 =	simm.s32 @!p0 $0x0  }
0x12: {  	s1 =	sld [smem:$0x3F99];
	s0 =	simm.s32 @p0 $0x1  }
0x13: {  	[smem:$0x3FB4] =	sst s0;
	s0 =	simm.s32 @!p1 $0x0  }
0x14: {  	s2 =	sld [smem:$0x3F98];
	s0 =	simm.s32 @p1 $0x1  }
0x15: {  	[smem:$0x3FB5] =	sst s0;
	s0 =	simm.s32 @!p2 $0x0  }
0x16: {  	s3 =	sld [smem:$0x3FDB];
	s0 =	simm.s32 @p2 $0x1  }
0x17: {  	s4 =	simm.s32 $0x1BF5;
	[smem:$0x3FB7] =	sst s0  }
0x18: {  	s0 =	sld [smem:$0x3F9A];
	_ =	swait.ge [sflag:s4], $0x0  }
0x19: {  	s7 =	sld [smem:$0x3F9B]  }
0x1a: {  	s8 =	sadd.s32 $0xFFFFE003, lr  }
0x1b: {  	s9 =	sadd.s32 $0xFFFFFEF7, lr;
	s5 =	simm.s32 $0xFFFFFFFF;
	p2 =	slt.u32 s8, $0xFFFFF086  }
0x1c: {  	p1 =	slt.u32 s9, $0xF7A;
	s5 =	simm.s32 @!p2 $0x0  }
0x1d: {  	s5 =	simm.s32 @p1 $0x1;
	p0 =	seq.s32 s7, s2  }
0x1e: {  	s7 =	smul.u32 @!p0 $0xF7A, s2;
	p2 =	seq.s32 @!p0 s5, $0x0  }
0x1f: {  	s9 =	smul.u32 $0xF7A, s1;
	s8 =	simm.s32 @!p0 $0x1BF5;
	p2 =	por !p2, p0  }
0x20: {  	[sflag:s8] =	ssyncset.s32 @!p0 $0xFFFFF086;
	s6 =	sadd.s32 @!p0 s3, s7;
	s7 =	simm.s32 @!p0 $0x108  }
0x21: {  	s3 =	sadd.s32 s3, s9;
	s6 =	sadd.s32 @!p0 $0x88, s6;
	s7 =	simm.s32 @p2 $0x1082  }
0x22: {  	[simem:s7], [sflag:s8] =	dma.local @!p0 [hbm:s6], $0xF7A  }
0x23: {  	s9 =	sor.u32 $0xD0000000, s2;
	s6 =	simm.s32 $0x108;
	_ =	swait.ge @!p0 [sflag:s8], $0x0  }
0x24: {  	s3 =	sadd.s32 $0x88, s3;
	s6 =	simm.s32 @!p1 $0x1082;
	[sflag:s4] =	ssyncset.s32 $0xFFFFF086  }
0x25: {  	[simem:s6], [sflag:s4] =	dma.local [hbm:s3], $0xF7A  }
0x26: {  	[smem:$0x3F9B] =	sst s1;
	(tag) =	ssettag s2;
	_ =	strace s9  }
0x27: {  	s1 =	sld [smem:$0x3FAB]  }
0x28: {  	s2 =	sld [smem:$0x3FAC]  }
0x29: {  	s4 =	sld [smem:$0x3FAE]  }
0x2a: {  	p0 =	seq.s32 s5, $0x0;
	s5 =	sld [smem:$0x3FAF]  }
0x2b: {  	s6 =	sld [smem:$0x3FB0]  }
0x2c: {  	s7 =	sld [smem:$0x3FB1]  }
0x2d: {  	s3 =	simm.s32 $0x108;
	s8 =	sld [smem:$0x3FB2]  }
0x2e: {  	s3 =	simm.s32 @!p0 $0x1082;
	s9 =	sld [smem:$0x3FB3]  }
0x2f: {  	lr =	sadd.s32 s0, s3;
	s0 =	sld [smem:$0x3FAA]  }
0x30: {  	s3 =	sld [smem:$0x3FAD]  }
0x31: {  	[smem:$0x3FB6] =	sst s10  }
0x32: {  	s10 =	sld [smem:$0x3FB4];
	_ =	sdelay $0x3  }
0x33: {  	p0 =	seq.s32 s10, $0x1;
	s10 =	sld [smem:$0x3FB6];
	_ =	sdelay $0x3  }
0x34: {  	[smem:$0x3FB6] =	sst s10  }
0x35: {  	s10 =	sld [smem:$0x3FB5];
	_ =	sdelay $0x3  }
0x36: {  	p1 =	seq.s32 s10, $0x1;
	s10 =	sld [smem:$0x3FB6];
	_ =	sdelay $0x3  }
0x37: {  	[smem:$0x3FB6] =	sst s10  }
0x38: {  	s10 =	sld [smem:$0x3FB7]  }
0x39: {  	_ = 	snop;
	(pc) =	sbr.ind lr, $3  }
0x3a: {  	_ = 	snop  }
0x3b: {  	_ = 	snop  }
0x3c: {  	p2 =	seq.s32 s10, $0x1;
	s10 =	sld [smem:$0x3FB6]  }
0x3d: {  	_ =	shalt  }
0x3e: {  	_ =	shalt  }
0x3f: {  	_ =	shalt  }
0x40: {  	_ =	shalt  }
0x41: {  	_ =	shalt  }
0x42: {  	_ =	shalt  }
0x43: {  	_ =	shalt  }
0x44: {  	_ =	shalt  }
0x45: {  	_ =	shalt  }
0x46: {  	_ =	shalt  }
0x47: {  	_ =	shalt  }
0x48: {  	_ =	shalt  }
0x49: {  	_ =	shalt  }
0x4a: {  	_ =	shalt  }
0x4b: {  	_ =	shalt  }
0x4c: {  	_ =	shalt  }
0x4d: {  	_ =	shalt  }
0x4e: {  	_ =	shalt  }
0x4f: {  	_ =	shalt  }
0x50: {  	_ =	shalt  }
0x51: {  	_ =	shalt  }
0x52: {  	_ =	shalt  }
0x53: {  	_ =	shalt  }
0x54: {  	_ =	shalt  }
0x55: {  	_ =	shalt  }
0x56: {  	_ =	shalt  }
0x57: {  	_ =	shalt  }
0x58: {  	_ =	shalt  }
0x59: {  	_ =	shalt  }
0x5a: {  	_ =	shalt  }
0x5b: {  	_ =	shalt  }
0x5c: {  	_ =	shalt  }
0x5d: {  	_ =	shalt  }
0x5e: {  	_ =	shalt  }
0x5f: {  	_ =	shalt  }
0x60: {  	_ =	shalt  }
0x61: {  	_ =	shalt  }
0x62: {  	_ =	shalt  }
0x63: {  	_ =	shalt  }
0x64: {  	_ =	shalt  }
0x65: {  	_ =	shalt  }
0x66: {  	_ =	shalt  }
0x67: {  	_ =	shalt  }
0x68: {  	_ =	shalt  }
0x69: {  	_ =	shalt  }
0x6a: {  	_ =	shalt  }
0x6b: {  	_ =	shalt  }
0x6c: {  	_ =	shalt  }
0x6d: {  	_ =	shalt  }
0x6e: {  	_ =	shalt  }
0x6f: {  	_ =	shalt  }
0x70: {  	_ =	shalt  }
0x71: {  	_ =	shalt  }
0x72: {  	_ =	shalt  }
0x73: {  	_ =	shalt  }
0x74: {  	_ =	shalt  }
0x75: {  	_ =	shalt  }
0x76: {  	_ =	shalt  }
0x77: {  	_ =	shalt  }
0x78: {  	_ =	shalt  }
0x79: {  	_ =	shalt  }
0x7a: {  	_ =	shalt  }
0x7b: {  	_ =	shalt  }
0x7c: {  	_ =	shalt  }
0x7d: {  	_ =	shalt  }
0x7e: {  	_ =	shalt  }
0x7f: {  	_ =	shalt  }
0x80: {  	_ =	shalt  }
0x81: {  	_ =	shalt  }
0x82: {  	_ =	shalt  }
0x83: {  	_ =	shalt  }
0x84: {  	_ =	shalt  }
0x85: {  	_ =	shalt  }
0x86: {  	_ =	shalt  }
0x87: {  	_ =	shalt  }
.Lfunc_end0:
.L_simem_size_0:
called_computation.2_lowered:
.L_overlay_start_0:
0x88: {  	s2 =	sld [smem:$0x3FD9]  }
0x89: {  	s3 =	sld [smem:$0x3FFE];
	_ =	sdelay $0x1  }
0x8a: {  	s1 =	srdreg.scid  }
0x8b: {  	s0 =	sand.u32 $0x1, s1  }
0x8c: {  	s16 =	sshll.u32 s0, $0xA;
	s2 =	sadd.s32 s3, s2  }
0x8d: {  	s2 =	sadd.s32 s2, s16  }
0x8e: {  	[smem:$0x3FC2] =	sst s2  }
0x8f: {  	_ = 	snop  }
0x90: {  	(tm) =	ssettm $0x1  }
0x91: {  	s17 =	sld [smem:$0x3FFB];
	_ =	sdelay $0x3  }
0x92: {  	_ =	strace s17  }
0x93: {  	s2 =	sld [smem:$0x3FFC];
	_ =	sdelay $0x3  }
0x94: {  	_ =	strace s2  }
0x95: {  	s2 =	sld [smem:$0x3FFD];
	_ =	sdelay $0x3  }
0x96: {  	_ =	strace s2  }
0x97: {  	_ =	strace $0x8FFFFFFF  }
0x98: {  	s18 =	sld [smem:$0x3FDB];
	_ =	sdelay $0x1  }
0x99: {  	s19 =	simm.s32 $_scs_section_size  }
0x9a: {  	s4 =	simm.s32 $_size__tile_overlayer_lowered;
	s5 =	simm.s32 $_tile_overlayer_lowered  }
0x9b: {  	s22 =	simm.s32 $0x1BFF;
	s21 =	sshll.u32 s5, $0x1;
	s2 =	sadd.s32 s19, s18  }
0x9c: {  	s6 =	simm.s32 $0x0;
	s20 =	sshll.u32 s4, $0x1;
	s4 =	sadd.s32 s21, s2  }
0x9d: {  	[timem:s6], [sflag:s22] =	dma.local [hbm:s4], s20  }
0x9e: {  	_ =	swait.ge [sflag:s22], s20  }
0x9f: {  	s3 =	ssub.s32 $0x0, s20;
	[sflag:s22] =	ssyncset.done $0x0  }
0xa0: {  	[sflag:s22] =	ssyncadd.s32 s3;
	_ =	sdelay $0x1  }
0xa1: {  	s23 =	simm.s32 $0x1B8B  }
0xa2: {  	_ =	swait.ge [sflag:s23], $0x1  }
0xa3: {  	[sflag:s23] =	ssyncset.done $0x0  }
0xa4: {  	s25 =	simm.s32 $0x1B8E;
	s24 =	sld [smem:$0x3FFE];
	[sflag:s23] =	ssyncadd.s32 $0xFFFFFFFF  }
0xa5: {  	s26 =	simm.s32 $execute0_lowered;
	[smem:$0x3FD2] =	sst s25  }
0xa6: {  	s4 =	sshll.u32 s26, $0x1;
	_ =	strace $0x8000004C;
	[dreg:$0x1] =	wrdreg $0xFFFFFFFF  }
0xa7: {  	s28 =	simm.s32 $_size_execute0_lowered;
	s2 =	sadd.s32 s2, s4;
	[dreg:$0x0] =	wrdreg $0x0  }
0xa8: {  	s4 =	sshll.u32 s28, $0x1;
	[dreg:$0x2] =	wrdreg s2  }
0xa9: {  	[dreg:$0x3] =	wrdreg s4  }
0xaa: {  	[dreg:$0x4] =	wrdreg $0xC0  }
0xab: {  	_ =	task [dreg:s6], $0x5FFFF  }
0xac: {  	[dreg:$0x1] =	wrdreg $0xFFFFFFFF  }
0xad: {  	[dreg:$0x0] =	wrdreg $0x60  }
0xae: {  	[dreg:$0x2] =	wrdreg s24  }
0xaf: {  	[dreg:$0x3] =	wrdreg $0x9000  }
0xb0: {  	[dreg:$0x4] =	wrdreg $0x9  }
0xb1: {  	_ =	task.clear_ibuf [dreg:s6], $0x5FFFF;
	_ =	strace $0x9000004C  }
0xb2: {  	s29 =	simm.s32 $0x9;
	_ =	strace $0x8000004E  }
0xb3: {  	_ =	swait.ge [sflag:s29], $0x1  }
0xb4: {  	[sflag:s29] =	ssyncadd.s32 $0xFFFFFFFF  }
0xb5: {  	_ =	strace $0x9000004E  }
0xb6: {  	_ =	sfence  }
0xb7: {  	s30 =	sld [smem:$0x0];
	_ =	sdelay $0x2  }
0xb8: {  	s31 =	sshll.u32 s1, $0xD;
	s1 =	sshrl.u32 s1, $0x2  }
0xb9: {  	s3 =	sand.u32 $0x4000, s31;
	s1 =	sadd.s32 s1, s30  }
0xba: {  	s0 =	sor.u32 s3, s0;
	s1 =	sshll.u32 s1, $0x11  }
0xbb: {  	s0 =	sor.u32 s1, s0  }
0xbc: {  	s0 =	sadd.s32 $0x8F2B, s0  }
0xbd: {  	[sflag:s0] =	ssyncadd.remote.s32 $0x1  }
0xbe: {  	_ =	sfence.sel $0xFFFF  }
0xbf: {  	[dreg:$0x0] =	wrdreg $0xFFFFFFFF;
	(pc) =	sbr.abs _section_cstart, $3  }
0xc0: {  	[dreg:$0x1] =	wrdreg $0xFFFFFFFF  }
0xc1: {  	_ =	task.clear_ibuf [dreg:s6], $0x2FFFF;
	_ =	strace $0x9FFFFFFF  }
0xc2: {  	(tm) =	ssettm $0x7FFFFFFF  }
0xc3: {  	_ =	shalt  }
tec
execute0_lowered:
.L_overlay_start_1:
0x0: {  	(tag) =	ssettag $0x1  }
0x1: {  	s1 =	srdreg.scid;
	s5 =	rddreg [dreg:$0x0]  }
0x2: {  	s0 =	stileid.u32;
	s2 =	rddreg [dreg:$0x1]  }
0x3: {  	s3 =	simm.s32 $0x0;
	s14 =	simm.s32 $0x100;
	s6 =	smul.u32 $0x4F00, s0  }
0x4: {  	s15 =	simm.s32 $0x2;
	s16 =	simm.s32 $0x80;
	s8 =	smul.u32 $0x2800, s0  }
0x5: {  	s17 =	simm.s32 $0x1;
	s4 =	sand.u32 $0x1, s1;
	s9 =	smul.u32 $0xA000, s0  }
0x6: {  	s20 =	simm.s32 $0x0;
	s1 =	rddreg [dreg:$0x2];
	s7 =	smul.u32 $0x2780, s4  }
0x7: {  	[smem:$0x7FF] =	sst s3;
	s18 =	sshll.u32 s0, $0x6;
	s28 =	smul.u32 $0x28000, s4  }
0x8: {  	_ =	strace $0x8000004D;
	s30 =	ssub.s32 $0x2, s4;
	s4 =	sadd.s32 $0xC000, s5  }
0x9: {  	s18 =	sor.u32 $0x1C02, s18;
	s10 =	sshrl.u32 s30, $0x1;
	s31 =	sshrl.u32 s9, $0x2  }
0xa: {  	s19 =	sadd.s32 s8, s2;
	s6 =	sadd.s32 s7, s6;
	s29 =	sadd.s32 s8, s28  }
0xb: {  	s7 =	ssub.s32 s30, s10;
	s19 =	sshrl.u32 s19, $0x3;
	s6 =	sshrl.u32 s6, $0x3  }
0xc: {  	s7 =	smax.u32 s7, $0x1;
	s13 =	sadd.s32 s6, s5;
	s6 =	sshrl.u32 s29, $0x3  }
0xd: {  	s6 =	sadd.s32 s6, s5;
	s5 =	sadd.s32 s31, s2;
	s12 =	sadd.s32 $0x16000, s13  }
0xe: {  	s13 =	sadd.s32 $0x2200, s13;
	s6 =	sadd.s32 $0x6FE00, s6;
	s8 =	sadd.s32 $0x800, s5  }
0xf: {  	v0 =	vimm.f32 $0.0e+00;
	s9 =	sadd.s32 $0x1000, s5;
	s10 =	sadd.s32 $0x1800, s5;
	s11 =	sadd.s32 $0x2000, s5  }
.LBB2_1:
0x10: {  	s21 =	simm.s32 $0x40;
	s22 =	simm.s32 $0x0  }
.LBB2_2:
0x11: {  	p0 =	sne.s32 s21, $0x1FC0;
	[tilespmem:s22+$0x100] =	vst v0;
	s22 =	smov.u32 s21;
	s21 =	sadd.s32 $0x40, s21  }
.Ltmp0:
0x12: {  	(pc) =	sbr.rel @p0 .LBB2_2-.Ltmp0, $2  }
0x13: {  	_ =	sdelay $0x2  }
0x14: {  	s22 =	sshra.s32 s22, $0x2  }
0x15: {  	[tilespmem:s22+$0x100] =	vst v0  }
0x16: {  	[spmem:s5] =	stream.linear.scatter [tilespmem:s14], [sflag:$0x2], $0x800, $0x38;
	[tilespmem:$0x3100] =	vst v63  }
0x17: {  	_ =	swait.ge [sflag:s15], $0x800  }
0x18: {  	[sflag:s15] =	ssyncset.done $0x0  }
0x19: {  	[sflag:s15] =	ssyncadd.s32 $0xFFFFF800  }
0x1a: {  	[spmem:s8] =	stream.linear.scatter [tilespmem:s14], [sflag:$0x2], $0x800, $0x38;
	[tilespmem:$0x3100] =	vst v63  }
0x1b: {  	_ =	swait.ge [sflag:s15], $0x800  }
0x1c: {  	[sflag:s15] =	ssyncset.done $0x0  }
0x1d: {  	[sflag:s15] =	ssyncadd.s32 $0xFFFFF800  }
0x1e: {  	[spmem:s9] =	stream.linear.scatter [tilespmem:s14], [sflag:$0x2], $0x800, $0x38;
	[tilespmem:$0x3100] =	vst v63  }
0x1f: {  	_ =	swait.ge [sflag:s15], $0x800  }
0x20: {  	[sflag:s15] =	ssyncset.done $0x0  }
0x21: {  	[sflag:s15] =	ssyncadd.s32 $0xFFFFF800  }
0x22: {  	[spmem:s10] =	stream.linear.scatter [tilespmem:s14], [sflag:$0x2], $0x800, $0x38;
	[tilespmem:$0x3100] =	vst v63  }
0x23: {  	_ =	swait.ge [sflag:s15], $0x800  }
0x24: {  	[sflag:s15] =	ssyncset.done $0x0  }
0x25: {  	[sflag:s15] =	ssyncadd.s32 $0xFFFFF800  }
0x26: {  	[spmem:s11] =	stream.linear.scatter [tilespmem:s14], [sflag:$0x2], $0x800, $0x38;
	[tilespmem:$0x3100] =	vst v63  }
0x27: {  	_ =	swait.ge [sflag:s15], $0x800  }
0x28: {  	[sflag:s15] =	ssyncset.done $0x0  }
0x29: {  	[sflag:s15] =	ssyncadd.s32 $0xFFFFF800  }
0x2a: {  	s21 =	sadd.s32 $0x0, s13;
	[bflag:$0x0] =	sbarrier.arrive $0xFFFF  }
0x2b: {  	[tilespmem:s16], [sflag:$0x2] =	stream.linear.gather [hbm4b:s21+s3], $0x80, $0x38;
	[tilespmem:$0x3100] =	vst v63  }
0x2c: {  	_ =	swait.ge [sflag:s15], $0x80  }
0x2d: {  	[sflag:s15] =	ssyncset.done $0x0  }
0x2e: {  	s31 =	sadd.s32 $0x0, s12;
	[sflag:s15] =	ssyncadd.s32 $0xFFFFFF80  }
0x2f: {  	[tilespmem:s3], [sflag:$0x2] =	stream.linear.gather [hbm4b:s31+s3], $0x80, $0x38;
	[tilespmem:$0x3100] =	vst v63  }
0x30: {  	_ =	swait.ge [sflag:s15], $0x80  }
0x31: {  	[sflag:s15] =	ssyncset.done $0x0  }
0x32: {  	[sflag:s15] =	ssyncadd.s32 $0xFFFFFF80  }
0x33: {  	[tilespmem:s14], [sflag:$0x1] =	stream.indirect.gather [hbm4b:s4+s16], $0x10, s3, s16, $0xb8;
	[tilespmem:$0x3100] =	vst v63  }
0x34: {  	_ =	swait.ge [sflag:s17], $0x800  }
0x35: {  	[sflag:s17] =	ssyncset.done $0x0  }
0x36: {  	[sflag:s17] =	ssyncadd.s32 $0xFFFFF800  }
0x37: {  	[spmem:s2] =	stream.indirect.scatter.add.f32 [tilespmem:s14], [sflag:$0x2], $0x10, s16, s16, $0xb8;
	[tilespmem:$0x3100] =	vst v63  }
0x38: {  	_ =	swait.ge [sflag:s15], $0x800  }
0x39: {  	s22 =	simm.s32 $0x20;
	s21 =	simm.s32 $0x10;
	[sflag:s15] =	ssyncset.done $0x0  }
.LBB2_4:
0x3a: {  	s23 =	sadd.s32 s21, s13  }
0x3b: {  	[sflag:s15] =	ssyncadd.s32 $0xFFFFF800;
	s24 =	smov.u32 s22;
	s25 =	sadd.s32 $0x10, s22  }
0x3c: {  	[tilespmem:s16], [sflag:$0x2] =	stream.linear.gather [hbm4b:s23+s3], $0x80, $0x38;
	[tilespmem:$0x3100] =	vst v63  }
0x3d: {  	p0 =	sne.s32 s22, $0x4E0;
	_ =	swait.ge [sflag:s15], $0x80  }
0x3e: {  	[sflag:s15] =	ssyncset.done $0x0  }
0x3f: {  	s22 =	sadd.s32 s21, s12;
	s21 =	smov.u32 s24;
	[sflag:s15] =	ssyncadd.s32 $0xFFFFFF80  }
0x40: {  	[tilespmem:s3], [sflag:$0x2] =	stream.linear.gather [hbm4b:s22+s3], $0x80, $0x38;
	[tilespmem:$0x3100] =	vst v63  }
0x41: {  	_ =	swait.ge [sflag:s15], $0x80  }
0x42: {  	[sflag:s15] =	ssyncset.done $0x0  }
0x43: {  	[sflag:s15] =	ssyncadd.s32 $0xFFFFFF80  }
0x44: {  	[tilespmem:s14], [sflag:$0x1] =	stream.indirect.gather [hbm4b:s4+s16], $0x10, s3, s16, $0xb8;
	[tilespmem:$0x3100] =	vst v63  }
0x45: {  	_ =	swait.ge [sflag:s17], $0x800  }
.Ltmp1:
0x46: {  	[sflag:s17] =	ssyncset.done $0x0;
	(pc) =	sbr.rel @p0 .LBB2_4-.Ltmp1, $4  }
0x47: {  	[sflag:s17] =	ssyncadd.s32 $0xFFFFF800  }
0x48: {  	[spmem:s2] =	stream.indirect.scatter.add.f32 [tilespmem:s14], [sflag:$0x2], $0x10, s16, s16, $0xb8;
	[tilespmem:$0x3100] =	vst v63  }
0x49: {  	_ =	swait.ge [sflag:s15], $0x800  }
0x4a: {  	s22 =	smov.u32 s25;
	[sflag:s15] =	ssyncset.done $0x0  }
0x4b: {  	s22 =	sadd.s32 s21, s13;
	[sflag:s15] =	ssyncadd.s32 $0xFFFFF800  }
0x4c: {  	[tilespmem:s16], [sflag:$0x2] =	stream.linear.gather [hbm4b:s22+s3], $0x80, $0x38;
	[tilespmem:$0x3100] =	vst v63  }
0x4d: {  	_ =	swait.ge [sflag:s15], $0x80  }
0x4e: {  	[sflag:s15] =	ssyncset.done $0x0  }
0x4f: {  	s31 =	sadd.s32 s21, s12;
	[sflag:s15] =	ssyncadd.s32 $0xFFFFFF80  }
0x50: {  	[tilespmem:s3], [sflag:$0x2] =	stream.linear.gather [hbm4b:s31+s3], $0x80, $0x38;
	[tilespmem:$0x3100] =	vst v63  }
0x51: {  	_ =	swait.ge [sflag:s15], $0x80  }
0x52: {  	[sflag:s15] =	ssyncset.done $0x0  }
0x53: {  	[sflag:s15] =	ssyncadd.s32 $0xFFFFFF80  }
0x54: {  	[tilespmem:s14], [sflag:$0x1] =	stream.indirect.gather [hbm4b:s4+s16], $0x10, s3, s16, $0xb8;
	[tilespmem:$0x3100] =	vst v63  }
0x55: {  	_ =	swait.ge [sflag:s17], $0x800  }
0x56: {  	[sflag:s17] =	ssyncset.done $0x0  }
0x57: {  	[sflag:s17] =	ssyncadd.s32 $0xFFFFF800  }
0x58: {  	[spmem:s2] =	stream.indirect.scatter.add.f32 [tilespmem:s14], [sflag:$0x2], $0x10, s16, s16, $0xb8;
	[tilespmem:$0x3100] =	vst v63  }
0x59: {  	_ =	swait.ge [sflag:s15], $0x800  }
0x5a: {  	s20 =	sadd.s32 $0x1, s20;
	[sflag:s15] =	ssyncset.done $0x0  }
0x5b: {  	p0 =	sne.s32 s20, s7;
	[sflag:s15] =	ssyncadd.s32 $0xFFFFF800  }
.Ltmp2:
0x5c: {  	[bflag:$0x0] =	sbarrier.arrive $0xFFFF;
	(pc) =	sbr.rel @p0 .LBB2_1-.Ltmp2, $4  }
0x5d: {  	[hbm:s6], [sflag:s18] =	dma.local [spmem:s19], $0x500  }
0x5e: {  	_ =	swait.ge [sflag:s15], $0x500  }
0x5f: {  	[sflag:s15] =	ssyncset.done $0x0  }
0x60: {  	[sflag:s15] =	ssyncadd.s32 $0xFFFFFB00  }
0x61: {  	_ =	sfence.sel $0x180000  }
0x62: {  	[bflag:$0x0] =	sbarrier.arrive $0xFFFF  }
0x63: {  	p0 =	sne.s32 s0, $0x0;
	_ =	strace $0x9000004D  }
0x64: {  	s0 =	sadd.s32 @!p0 $0x100000, s1;
	[bflag:$0x2] =	sbarrier.arrive $0xFFFF  }
0x65: {  	[sflag:s0] =	ssyncadd.tile.s32 @!p0 $0x1;
	_ =	shalt  }
.Lfunc_end2:
_tile_overlayer_lowered:
.L_overlay_start_2:
0x66: {  	(tag) =	ssettag $0x2  }
0x67: {  	s0 =	rddreg [dreg:$0x0];
	s2 =	stileid.u32  }
0x68: {  	s1 =	rddreg [dreg:$0x1];
	p0 =	sne.s32 s2, $0x0  }
0x69: {  	s3 =	rddreg [dreg:$0x2];
	[bflag:$0x3] =	sbarrier.arrive $0xFFFF;
	s2 =	simm.s32 @!p0 $0x1C02  }
0x6a: {  	[timem:s3], [sflag:s2] =	dma.local @!p0 [hbm:s0], s1  }
0x6b: {  	s0 =	simm.s32 @!p0 $0x2  }
0x6c: {  	_ =	swait.ge @!p0 [sflag:s0], s1  }
0x6d: {  	s1 =	ssub.s32 @!p0 $0x0, s1;
	[sflag:s0] =	ssyncset.done @!p0 $0x0  }
0x6e: {  	[sflag:s0] =	ssyncadd.s32 @!p0 s1  }
0x6f: {  	[bflag:$0x3] =	sbarrier.arrive $0xFFFF  }
0x70: {  	_ =	shalt  }

// kernel: kernel.8.cloned.1.call-start
scs
__scs_entry_jumppad:
0x0: {  	(pc) =	sbr.rel $0x88, $3  }
0x1: {  	(tag) =	ssettag $0x0;
	lr =	simm.s32 $0x1  }
0x2: {  	[smem:$0x3F9B] =	sst lr;
	_ =	strace $0xD0000000  }
0x3: {  	_ = 	snop  }
0x4: {  	_ = 	snop  }
0x5: {  	_ = 	snop  }
0x6: {  	_ = 	snop  }
0x7: {  	_ = 	snop  }
__scs_overlays_trampoline_lowered:
0x8: {  	[smem:$0x3FAA] =	sst s0  }
0x9: {  	[smem:$0x3FAB] =	sst s1  }
0xa: {  	[smem:$0x3FAC] =	sst s2  }
0xb: {  	[smem:$0x3FAD] =	sst s3  }
0xc: {  	[smem:$0x3FAE] =	sst s4  }
0xd: {  	[smem:$0x3FAF] =	sst s5  }
0xe: {  	[smem:$0x3FB0] =	sst s6  }
0xf: {  	[smem:$0x3FB1] =	sst s7  }
0x10: {  	[smem:$0x3FB2] =	sst s8  }
0x11: {  	[smem:$0x3FB3] =	sst s9;
	s0 =	simm.s32 @!p0 $0x0  }
0x12: {  	s1 =	sld [smem:$0x3F99];
	s0 =	simm.s32 @p0 $0x1  }
0x13: {  	[smem:$0x3FB4] =	sst s0;
	s0 =	simm.s32 @!p1 $0x0  }
0x14: {  	s2 =	sld [smem:$0x3F98];
	s0 =	simm.s32 @p1 $0x1  }
0x15: {  	[smem:$0x3FB5] =	sst s0;
	s0 =	simm.s32 @!p2 $0x0  }
0x16: {  	s3 =	sld [smem:$0x3FDB];
	s0 =	simm.s32 @p2 $0x1  }
0x17: {  	s4 =	simm.s32 $0x1BF5;
	[smem:$0x3FB7] =	sst s0  }
0x18: {  	s0 =	sld [smem:$0x3F9A];
	_ =	swait.ge [sflag:s4], $0x0  }
0x19: {  	s7 =	sld [smem:$0x3F9B]  }
0x1a: {  	s8 =	sadd.s32 $0xFFFFE003, lr  }
0x1b: {  	s9 =	sadd.s32 $0xFFFFFEF7, lr;
	s5 =	simm.s32 $0xFFFFFFFF;
	p2 =	slt.u32 s8, $0xFFFFF086  }
0x1c: {  	p1 =	slt.u32 s9, $0xF7A;
	s5 =	simm.s32 @!p2 $0x0  }
0x1d: {  	s5 =	simm.s32 @p1 $0x1;
	p0 =	seq.s32 s7, s2  }
0x1e: {  	s7 =	smul.u32 @!p0 $0xF7A, s2;
	p2 =	seq.s32 @!p0 s5, $0x0  }
0x1f: {  	s9 =	smul.u32 $0xF7A, s1;
	s8 =	simm.s32 @!p0 $0x1BF5;
	p2 =	por !p2, p0  }
0x20: {  	[sflag:s8] =	ssyncset.s32 @!p0 $0xFFFFF086;
	s6 =	sadd.s32 @!p0 s3, s7;
	s7 =	simm.s32 @!p0 $0x108  }
0x21: {  	s3 =	sadd.s32 s3, s9;
	s6 =	sadd.s32 @!p0 $0x88, s6;
	s7 =	simm.s32 @p2 $0x1082  }
0x22: {  	[simem:s7], [sflag:s8] =	dma.local @!p0 [hbm:s6], $0xF7A  }
0x23: {  	s9 =	sor.u32 $0xD0000000, s2;
	s6 =	simm.s32 $0x108;
	_ =	swait.ge @!p0 [sflag:s8], $0x0  }
0x24: {  	s3 =	sadd.s32 $0x88, s3;
	s6 =	simm.s32 @!p1 $0x1082;
	[sflag:s4] =	ssyncset.s32 $0xFFFFF086  }
0x25: {  	[simem:s6], [sflag:s4] =	dma.local [hbm:s3], $0xF7A  }
0x26: {  	[smem:$0x3F9B] =	sst s1;
	(tag) =	ssettag s2;
	_ =	strace s9  }
0x27: {  	s1 =	sld [smem:$0x3FAB]  }
0x28: {  	s2 =	sld [smem:$0x3FAC]  }
0x29: {  	s4 =	sld [smem:$0x3FAE]  }
0x2a: {  	p0 =	seq.s32 s5, $0x0;
	s5 =	sld [smem:$0x3FAF]  }
0x2b: {  	s6 =	sld [smem:$0x3FB0]  }
0x2c: {  	s7 =	sld [smem:$0x3FB1]  }
0x2d: {  	s3 =	simm.s32 $0x108;
	s8 =	sld [smem:$0x3FB2]  }
0x2e: {  	s3 =	simm.s32 @!p0 $0x1082;
	s9 =	sld [smem:$0x3FB3]  }
0x2f: {  	lr =	sadd.s32 s0, s3;
	s0 =	sld [smem:$0x3FAA]  }
0x30: {  	s3 =	sld [smem:$0x3FAD]  }
0x31: {  	[smem:$0x3FB6] =	sst s10  }
0x32: {  	s10 =	sld [smem:$0x3FB4];
	_ =	sdelay $0x3  }
0x33: {  	p0 =	seq.s32 s10, $0x1;
	s10 =	sld [smem:$0x3FB6];
	_ =	sdelay $0x3  }
0x34: {  	[smem:$0x3FB6] =	sst s10  }
0x35: {  	s10 =	sld [smem:$0x3FB5];
	_ =	sdelay $0x3  }
0x36: {  	p1 =	seq.s32 s10, $0x1;
	s10 =	sld [smem:$0x3FB6];
	_ =	sdelay $0x3  }
0x37: {  	[smem:$0x3FB6] =	sst s10  }
0x38: {  	s10 =	sld [smem:$0x3FB7]  }
0x39: {  	_ = 	snop;
	(pc) =	sbr.ind lr, $3  }
0x3a: {  	_ = 	snop  }
0x3b: {  	_ = 	snop  }
0x3c: {  	p2 =	seq.s32 s10, $0x1;
	s10 =	sld [smem:$0x3FB6]  }
0x3d: {  	_ =	shalt  }
0x3e: {  	_ =	shalt  }
0x3f: {  	_ =	shalt  }
0x40: {  	_ =	shalt  }
0x41: {  	_ =	shalt  }
0x42: {  	_ =	shalt  }
0x43: {  	_ =	shalt  }
0x44: {  	_ =	shalt  }
0x45: {  	_ =	shalt  }
0x46: {  	_ =	shalt  }
0x47: {  	_ =	shalt  }
0x48: {  	_ =	shalt  }
0x49: {  	_ =	shalt  }
0x4a: {  	_ =	shalt  }
0x4b: {  	_ =	shalt  }
0x4c: {  	_ =	shalt  }
0x4d: {  	_ =	shalt  }
0x4e: {  	_ =	shalt  }
0x4f: {  	_ =	shalt  }
0x50: {  	_ =	shalt  }
0x51: {  	_ =	shalt  }
0x52: {  	_ =	shalt  }
0x53: {  	_ =	shalt  }
0x54: {  	_ =	shalt  }
0x55: {  	_ =	shalt  }
0x56: {  	_ =	shalt  }
0x57: {  	_ =	shalt  }
0x58: {  	_ =	shalt  }
0x59: {  	_ =	shalt  }
0x5a: {  	_ =	shalt  }
0x5b: {  	_ =	shalt  }
0x5c: {  	_ =	shalt  }
0x5d: {  	_ =	shalt  }
0x5e: {  	_ =	shalt  }
0x5f: {  	_ =	shalt  }
0x60: {  	_ =	shalt  }
0x61: {  	_ =	shalt  }
0x62: {  	_ =	shalt  }
0x63: {  	_ =	shalt  }
0x64: {  	_ =	shalt  }
0x65: {  	_ =	shalt  }
0x66: {  	_ =	shalt  }
0x67: {  	_ =	shalt  }
0x68: {  	_ =	shalt  }
0x69: {  	_ =	shalt  }
0x6a: {  	_ =	shalt  }
0x6b: {  	_ =	shalt  }
0x6c: {  	_ =	shalt  }
0x6d: {  	_ =	shalt  }
0x6e: {  	_ =	shalt  }
0x6f: {  	_ =	shalt  }
0x70: {  	_ =	shalt  }
0x71: {  	_ =	shalt  }
0x72: {  	_ =	shalt  }
0x73: {  	_ =	shalt  }
0x74: {  	_ =	shalt  }
0x75: {  	_ =	shalt  }
0x76: {  	_ =	shalt  }
0x77: {  	_ =	shalt  }
0x78: {  	_ =	shalt  }
0x79: {  	_ =	shalt  }
0x7a: {  	_ =	shalt  }
0x7b: {  	_ =	shalt  }
0x7c: {  	_ =	shalt  }
0x7d: {  	_ =	shalt  }
0x7e: {  	_ =	shalt  }
0x7f: {  	_ =	shalt  }
0x80: {  	_ =	shalt  }
0x81: {  	_ =	shalt  }
0x82: {  	_ =	shalt  }
0x83: {  	_ =	shalt  }
0x84: {  	_ =	shalt  }
0x85: {  	_ =	shalt  }
0x86: {  	_ =	shalt  }
0x87: {  	_ =	shalt  }
.Lfunc_end0:
.L_simem_size_0:
called_computation_lowered:
.L_overlay_start_0:
0x88: {  	s2 =	sld [smem:$0x3FD9]  }
0x89: {  	s3 =	sld [smem:$0x3FFE];
	_ =	sdelay $0x1  }
0x8a: {  	s1 =	srdreg.scid  }
0x8b: {  	s0 =	sand.u32 $0x1, s1  }
0x8c: {  	s16 =	sshll.u32 s0, $0xA;
	s2 =	sadd.s32 s3, s2  }
0x8d: {  	s2 =	sadd.s32 s2, s16  }
0x8e: {  	[smem:$0x3FC2] =	sst s2  }
0x8f: {  	_ = 	snop  }
0x90: {  	(tm) =	ssettm $0x1  }
0x91: {  	s17 =	sld [smem:$0x3FFB];
	_ =	sdelay $0x3  }
0x92: {  	_ =	strace s17  }
0x93: {  	s2 =	sld [smem:$0x3FFC];
	_ =	sdelay $0x3  }
0x94: {  	_ =	strace s2  }
0x95: {  	s2 =	sld [smem:$0x3FFD];
	_ =	sdelay $0x3  }
0x96: {  	_ =	strace s2  }
0x97: {  	_ =	strace $0x8FFFFFFF  }
0x98: {  	s18 =	sld [smem:$0x3FDB];
	_ =	sdelay $0x1  }
0x99: {  	s19 =	simm.s32 $_scs_section_size  }
0x9a: {  	s4 =	simm.s32 $_size__tile_overlayer_lowered;
	s5 =	simm.s32 $_tile_overlayer_lowered  }
0x9b: {  	s22 =	simm.s32 $0x1BFF;
	s21 =	sshll.u32 s5, $0x1;
	s2 =	sadd.s32 s19, s18  }
0x9c: {  	s6 =	simm.s32 $0x0;
	s20 =	sshll.u32 s4, $0x1;
	s4 =	sadd.s32 s21, s2  }
0x9d: {  	[timem:s6], [sflag:s22] =	dma.local [hbm:s4], s20  }
0x9e: {  	_ =	swait.ge [sflag:s22], s20  }
0x9f: {  	s3 =	ssub.s32 $0x0, s20;
	[sflag:s22] =	ssyncset.done $0x0  }
0xa0: {  	[sflag:s22] =	ssyncadd.s32 s3;
	_ =	sdelay $0x1  }
0xa1: {  	s23 =	simm.s32 $0x1B8B  }
0xa2: {  	_ =	swait.ge [sflag:s23], $0x1  }
0xa3: {  	[sflag:s23] =	ssyncset.done $0x0  }
0xa4: {  	s25 =	simm.s32 $0x1B8E;
	s24 =	sld [smem:$0x3FFE];
	[sflag:s23] =	ssyncadd.s32 $0xFFFFFFFF  }
0xa5: {  	s26 =	simm.s32 $execute0_lowered;
	[smem:$0x3FD2] =	sst s25  }
0xa6: {  	s4 =	sshll.u32 s26, $0x1;
	_ =	strace $0x80000046;
	[dreg:$0x1] =	wrdreg $0xFFFFFFFF  }
0xa7: {  	s28 =	simm.s32 $_size_execute0_lowered;
	s2 =	sadd.s32 s2, s4;
	[dreg:$0x0] =	wrdreg $0x0  }
0xa8: {  	s4 =	sshll.u32 s28, $0x1;
	[dreg:$0x2] =	wrdreg s2  }
0xa9: {  	[dreg:$0x3] =	wrdreg s4  }
0xaa: {  	[dreg:$0x4] =	wrdreg $0xC0  }
0xab: {  	_ =	task [dreg:s6], $0x5FFFF  }
0xac: {  	[dreg:$0x1] =	wrdreg $0xFFFFFFFF  }
0xad: {  	[dreg:$0x0] =	wrdreg $0x60  }
0xae: {  	[dreg:$0x2] =	wrdreg s24  }
0xaf: {  	[dreg:$0x3] =	wrdreg $0x8800  }
0xb0: {  	[dreg:$0x4] =	wrdreg $0x9  }
0xb1: {  	_ =	task.clear_ibuf [dreg:s6], $0x5FFFF;
	_ =	strace $0x90000046  }
0xb2: {  	s29 =	simm.s32 $0x9;
	_ =	strace $0x80000048  }
0xb3: {  	_ =	swait.ge [sflag:s29], $0x1  }
0xb4: {  	[sflag:s29] =	ssyncadd.s32 $0xFFFFFFFF  }
0xb5: {  	_ =	strace $0x90000048  }
0xb6: {  	_ =	sfence  }
0xb7: {  	s30 =	sld [smem:$0x0];
	_ =	sdelay $0x2  }
0xb8: {  	s31 =	sshll.u32 s1, $0xD;
	s1 =	sshrl.u32 s1, $0x2  }
0xb9: {  	s3 =	sand.u32 $0x4000, s31;
	s1 =	sadd.s32 s1, s30  }
0xba: {  	s0 =	sor.u32 s3, s0;
	s1 =	sshll.u32 s1, $0x11  }
0xbb: {  	s0 =	sor.u32 s1, s0  }
0xbc: {  	s0 =	sadd.s32 $0x8F2B, s0  }
0xbd: {  	[sflag:s0] =	ssyncadd.remote.s32 $0x1  }
0xbe: {  	_ =	sfence.sel $0xFFFF  }
0xbf: {  	[dreg:$0x0] =	wrdreg $0xFFFFFFFF;
	(pc) =	sbr.abs _section_cstart, $3  }
0xc0: {  	[dreg:$0x1] =	wrdreg $0xFFFFFFFF  }
0xc1: {  	_ =	task.clear_ibuf [dreg:s6], $0x2FFFF;
	_ =	strace $0x9FFFFFFF  }
0xc2: {  	(tm) =	ssettm $0x7FFFFFFF  }
0xc3: {  	_ =	shalt  }
tec
execute0_lowered:
.L_overlay_start_1:
0x0: {  	(tag) =	ssettag $0x1  }
0x1: {  	s1 =	srdreg.scid  }
0x2: {  	s0 =	stileid.u32;
	s4 =	rddreg [dreg:$0x0]  }
0x3: {  	s2 =	rddreg [dreg:$0x1];
	s3 =	simm.s32 $0x0;
	s6 =	smul.u32 $0x4F00, s0  }
0x4: {  	s12 =	simm.s32 $0x80;
	s13 =	simm.s32 $0x1;
	s28 =	smul.u32 $0x2800, s0  }
0x5: {  	s5 =	sand.u32 $0x1, s1;
	s1 =	rddreg [dreg:$0x2];
	s9 =	smul.u32 $0xA000, s0  }
0x6: {  	s16 =	simm.s32 $0x0;
	[smem:$0x7FF] =	sst s3;
	s7 =	smul.u32 $0x2780, s5  }
0x7: {  	s14 =	sshll.u32 s0, $0x6;
	s8 =	smul.u32 $0x28000, s5;
	s5 =	ssub.s32 $0x2, s5  }
0x8: {  	_ =	strace $0x80000047;
	s14 =	sor.u32 $0x1C01, s14;
	s30 =	sshrl.u32 s5, $0x1  }
0x9: {  	s31 =	sshrl.u32 s9, $0x2;
	s6 =	sadd.s32 s7, s6;
	s8 =	sadd.s32 s28, s8  }
0xa: {  	s15 =	sadd.s32 s28, s2;
	s6 =	sshrl.u32 s6, $0x3;
	s29 =	sshrl.u32 s8, $0x3  }
0xb: {  	s15 =	sshrl.u32 s15, $0x3;
	s11 =	sadd.s32 s6, s4;
	s6 =	sadd.s32 s29, s4  }
0xc: {  	s8 =	ssub.s32 s5, s30;
	s4 =	sadd.s32 s31, s2;
	s5 =	sadd.s32 $0xC000, s6  }
0xd: {  	s6 =	smax.u32 s8, $0x1;
	s7 =	sadd.s32 $0x800, s4;
	s8 =	sadd.s32 $0x1000, s4  }
0xe: {  	v0 =	vimm.f32 $0.0e+00;
	v1 =	vimm.f32 $1.000000000e+00;
	s9 =	sadd.s32 $0x1800, s4;
	s10 =	sadd.s32 $0x2000, s4;
	s11 =	sadd.s32 $0x2200, s11  }
.LBB2_1:
0xf: {  	s17 =	simm.s32 $0x40;
	s18 =	simm.s32 $0x0  }
.LBB2_2:
0x10: {  	p0 =	sne.s32 s17, $0x1FC0;
	[tilespmem:s18+$0x80] =	vst v0;
	s18 =	smov.u32 s17;
	s17 =	sadd.s32 $0x40, s17  }
.Ltmp0:
0x11: {  	(pc) =	sbr.rel @p0 .LBB2_2-.Ltmp0, $2  }
0x12: {  	_ =	sdelay $0x2  }
0x13: {  	s18 =	sshra.s32 s18, $0x2  }
0x14: {  	[tilespmem:s18+$0x80] =	vst v0  }
0x15: {  	[spmem:s4] =	stream.linear.scatter [tilespmem:s12], [sflag:$0x1], $0x800, $0x38;
	[tilespmem:$0x3080] =	vst v63  }
0x16: {  	_ =	swait.ge [sflag:s13], $0x800  }
0x17: {  	[sflag:s13] =	ssyncset.done $0x0  }
0x18: {  	[sflag:s13] =	ssyncadd.s32 $0xFFFFF800  }
0x19: {  	[spmem:s7] =	stream.linear.scatter [tilespmem:s12], [sflag:$0x1], $0x800, $0x38;
	[tilespmem:$0x3080] =	vst v63  }
0x1a: {  	_ =	swait.ge [sflag:s13], $0x800  }
0x1b: {  	[sflag:s13] =	ssyncset.done $0x0  }
0x1c: {  	[sflag:s13] =	ssyncadd.s32 $0xFFFFF800  }
0x1d: {  	[spmem:s8] =	stream.linear.scatter [tilespmem:s12], [sflag:$0x1], $0x800, $0x38;
	[tilespmem:$0x3080] =	vst v63  }
0x1e: {  	_ =	swait.ge [sflag:s13], $0x800  }
0x1f: {  	[sflag:s13] =	ssyncset.done $0x0  }
0x20: {  	[sflag:s13] =	ssyncadd.s32 $0xFFFFF800  }
0x21: {  	[spmem:s9] =	stream.linear.scatter [tilespmem:s12], [sflag:$0x1], $0x800, $0x38;
	[tilespmem:$0x3080] =	vst v63  }
0x22: {  	_ =	swait.ge [sflag:s13], $0x800  }
0x23: {  	[sflag:s13] =	ssyncset.done $0x0  }
0x24: {  	[sflag:s13] =	ssyncadd.s32 $0xFFFFF800  }
0x25: {  	[spmem:s10] =	stream.linear.scatter [tilespmem:s12], [sflag:$0x1], $0x800, $0x38;
	[tilespmem:$0x3080] =	vst v63  }
0x26: {  	_ =	swait.ge [sflag:s13], $0x800  }
0x27: {  	[sflag:s13] =	ssyncset.done $0x0  }
0x28: {  	s17 =	simm.s32 $0x40;
	s18 =	simm.s32 $0x0;
	[sflag:s13] =	ssyncadd.s32 $0xFFFFF800  }
.LBB2_4:
0x29: {  	p0 =	sne.s32 s17, $0x1FC0;
	[tilespmem:s18+$0x80] =	vst v1;
	s18 =	smov.u32 s17;
	s17 =	sadd.s32 $0x40, s17  }
.Ltmp1:
0x2a: {  	(pc) =	sbr.rel @p0 .LBB2_4-.Ltmp1, $2  }
0x2b: {  	_ =	sdelay $0x2  }
0x2c: {  	s18 =	sshra.s32 s18, $0x2  }
0x2d: {  	[tilespmem:s18+$0x80] =	vst v1  }
0x2e: {  	s17 =	sadd.s32 $0x0, s11;
	[bflag:$0x0] =	sbarrier.arrive $0xFFFF  }
0x2f: {  	[tilespmem:s3], [sflag:$0x1] =	stream.linear.gather [hbm4b:s17+s3], $0x80, $0x38;
	[tilespmem:$0x3080] =	vst v63  }
0x30: {  	_ =	swait.ge [sflag:s13], $0x80  }
0x31: {  	[sflag:s13] =	ssyncset.done $0x0  }
0x32: {  	[sflag:s13] =	ssyncadd.s32 $0xFFFFFF80  }
0x33: {  	[spmem:s2] =	stream.indirect.scatter.add.f32 [tilespmem:s12], [sflag:$0x1], $0x10, s3, s12, $0xb8;
	[tilespmem:$0x3080] =	vst v63  }
0x34: {  	_ =	swait.ge [sflag:s13], $0x800  }
0x35: {  	s18 =	simm.s32 $0x20;
	s17 =	simm.s32 $0x10;
	[sflag:s13] =	ssyncset.done $0x0  }
.LBB2_6:
0x36: {  	s19 =	sadd.s32 s17, s11  }
0x37: {  	[sflag:s13] =	ssyncadd.s32 $0xFFFFF800;
	s17 =	smov.u32 s18;
	s20 =	sadd.s32 $0x10, s18  }
0x38: {  	[tilespmem:s3], [sflag:$0x1] =	stream.linear.gather [hbm4b:s19+s3], $0x80, $0x38;
	[tilespmem:$0x3080] =	vst v63  }
0x39: {  	p0 =	sne.s32 s18, $0x4E0;
	_ =	swait.ge [sflag:s13], $0x80  }
.Ltmp2:
0x3a: {  	[sflag:s13] =	ssyncset.done $0x0;
	(pc) =	sbr.rel @p0 .LBB2_6-.Ltmp2, $4  }
0x3b: {  	[sflag:s13] =	ssyncadd.s32 $0xFFFFFF80  }
0x3c: {  	[spmem:s2] =	stream.indirect.scatter.add.f32 [tilespmem:s12], [sflag:$0x1], $0x10, s3, s12, $0xb8;
	[tilespmem:$0x3080] =	vst v63  }
0x3d: {  	_ =	swait.ge [sflag:s13], $0x800  }
0x3e: {  	s18 =	smov.u32 s20;
	[sflag:s13] =	ssyncset.done $0x0  }
0x3f: {  	s17 =	sadd.s32 s17, s11;
	[sflag:s13] =	ssyncadd.s32 $0xFFFFF800  }
0x40: {  	[tilespmem:s3], [sflag:$0x1] =	stream.linear.gather [hbm4b:s17+s3], $0x80, $0x38;
	[tilespmem:$0x3080] =	vst v63  }
0x41: {  	_ =	swait.ge [sflag:s13], $0x80  }
0x42: {  	[sflag:s13] =	ssyncset.done $0x0  }
0x43: {  	[sflag:s13] =	ssyncadd.s32 $0xFFFFFF80  }
0x44: {  	[spmem:s2] =	stream.indirect.scatter.add.f32 [tilespmem:s12], [sflag:$0x1], $0x10, s3, s12, $0xb8;
	[tilespmem:$0x3080] =	vst v63  }
0x45: {  	_ =	swait.ge [sflag:s13], $0x800  }
0x46: {  	s16 =	sadd.s32 $0x1, s16;
	[sflag:s13] =	ssyncset.done $0x0  }
0x47: {  	p0 =	sne.s32 s16, s6;
	[sflag:s13] =	ssyncadd.s32 $0xFFFFF800  }
.Ltmp3:
0x48: {  	[bflag:$0x0] =	sbarrier.arrive $0xFFFF;
	(pc) =	sbr.rel @p0 .LBB2_1-.Ltmp3, $4  }
0x49: {  	[hbm:s5], [sflag:s14] =	dma.local [spmem:s15], $0x500  }
0x4a: {  	_ =	swait.ge [sflag:s13], $0x500  }
0x4b: {  	[sflag:s13] =	ssyncset.done $0x0  }
0x4c: {  	[sflag:s13] =	ssyncadd.s32 $0xFFFFFB00  }
0x4d: {  	_ =	sfence.sel $0x180000  }
0x4e: {  	[bflag:$0x0] =	sbarrier.arrive $0xFFFF  }
0x4f: {  	p0 =	sne.s32 s0, $0x0;
	_ =	strace $0x90000047  }
0x50: {  	s0 =	sadd.s32 @!p0 $0x100000, s1;
	[bflag:$0x2] =	sbarrier.arrive $0xFFFF  }
0x51: {  	[sflag:s0] =	ssyncadd.tile.s32 @!p0 $0x1;
	_ =	shalt  }
.Lfunc_end2:
_tile_overlayer_lowered:
.L_overlay_start_2:
0x52: {  	(tag) =	ssettag $0x2  }
0x53: {  	s0 =	rddreg [dreg:$0x0];
	s2 =	stileid.u32  }
0x54: {  	s1 =	rddreg [dreg:$0x1];
	p0 =	sne.s32 s2, $0x0  }
0x55: {  	s3 =	rddreg [dreg:$0x2];
	[bflag:$0x3] =	sbarrier.arrive $0xFFFF;
	s2 =	simm.s32 @!p0 $0x1C01  }
0x56: {  	[timem:s3], [sflag:s2] =	dma.local @!p0 [hbm:s0], s1  }
0x57: {  	s0 =	simm.s32 @!p0 $0x1  }
0x58: {  	_ =	swait.ge @!p0 [sflag:s0], s1  }
0x59: {  	s1 =	ssub.s32 @!p0 $0x0, s1;
	[sflag:s0] =	ssyncset.done @!p0 $0x0  }
0x5a: {  	[sflag:s0] =	ssyncadd.s32 @!p0 s1  }
0x5b: {  	[bflag:$0x3] =	sbarrier.arrive $0xFFFF  }
0x5c: {  	_ =	shalt  }

</sc_bundles>
